<compile_context>
chip_gen: v7x
topology: tpu7x:2x2x1
jax: 0.10.2.dev20260603
libtpu: 0.0.44.dev20260713+nightly
codegen_flags: <defaults>
</compile_context>

<pallas_src>
import functools

import jax
import jax.numpy as jnp
from jax import lax
from jax.experimental import pallas as pl
from jax.experimental.pallas import tpu as pltpu
from jax.experimental.pallas import tpu_sc as plsc

_NW = 32
_B = 16384 * 32
_D = 128
_V = 32
_G = 128
_PER_W = _B // _NW
_NGRP = _PER_W // _G
_NB = 3
_NT = _NGRP // (2 * _NB)
_TAIL = _NGRP - 2 * _NB * _NT

_mesh = plsc.VectorSubcoreMesh(core_axis_name="c", subcore_axis_name="s")


@functools.partial(
    pl.kernel,
    mesh=_mesh,
    out_type=jax.ShapeDtypeStruct((_B, _D), jnp.float32),
    compiler_params=pltpu.CompilerParams(needs_layout_passes=False),
    scratch_types=[
        pltpu.VMEM((_NGRP, _G), jnp.int32),
        pltpu.VMEM((_NB * _G, _D), jnp.float32),
        pltpu.VMEM((_NB * _G, _D), jnp.float32),
        pltpu.VMEM_SHARED((_V, _D), jnp.float32),
        pltpu.SemaphoreType.DMA,
        pltpu.SemaphoreType.DMA,
        pltpu.SemaphoreType.DMA,
        pltpu.SemaphoreType.DMA,
    ],
)
def _gather_all(idx_hbm, table_hbm, out_hbm, idx_v, ba, bb, tab_sh,
                ga_sem, gb_sem, wa_sem, wb_sem):
    sid = lax.axis_index("s")
    wid = sid * 2 + lax.axis_index("c")
    base = wid * _PER_W

    @pl.when(sid == 0)
    def _():
        pltpu.sync_copy(table_hbm, tab_sh)

    pltpu.sync_copy(idx_hbm.at[wid], idx_v)
    plsc.subcore_barrier()

    bufs = {"a": ba, "b": bb}
    gsems = {"a": ga_sem, "b": gb_sem}
    wsems = {"a": wa_sem, "b": wb_sem}

    def g_start(k, ga):
        for i in range(_NB):
            g = jnp.minimum(ga + i, _NGRP - 1)
            pltpu.async_copy(tab_sh.at[idx_v.at[g]],
                             bufs[k].at[pl.ds(i * _G, _G)], gsems[k])

    def g_wait(k):
        for i in range(_NB):
            pltpu.make_async_copy(tab_sh.at[idx_v.at[0]],
                                  bufs[k].at[pl.ds(i * _G, _G)],
                                  gsems[k]).wait()

    def w_start(k, ga, n=_NB):
        pltpu.async_copy(bufs[k].at[pl.ds(0, n * _G)],
                         out_hbm.at[pl.ds(base + ga * _G, n * _G)], wsems[k])

    def w_wait(k, n=_NB):
        pltpu.make_async_copy(bufs[k].at[pl.ds(0, n * _G)],
                              out_hbm.at[pl.ds(base, n * _G)],
                              wsems[k]).wait()

    g_start("a", 0)
    g_wait("a")
    w_start("a", 0)
    g_start("b", _NB)
    g_wait("b")
    w_start("b", _NB)
    w_wait("a")
    g_start("a", 2 * _NB)

    def body(t, carry):
        ga = 2 * _NB * t
        g_wait("a")
        w_start("a", ga)
        w_wait("b")
        g_start("b", ga + _NB)
        g_wait("b")
        w_start("b", ga + _NB)
        w_wait("a")
        g_start("a", ga + 2 * _NB)
        return carry

    lax.fori_loop(1, _NT, body, 0)

    g_wait("a")
    w_start("a", 2 * _NB * _NT, n=_TAIL)
    w_wait("b")
    w_wait("a", n=_TAIL)


def kernel(x, weight):
    xr = x.reshape(_NW, _NGRP, _G)
    out = _gather_all(xr, weight)
    return out.reshape(16384, 32, _D)

# --- scband reference (transcript-rebuilt; emitter-appended) ---
"""Pipeline reference for scband-sinusoidal-pos-embed-60129542866 (READ-ONLY COPY).

The authoritative reference and input builder live on the scoring server;
editing this copy changes nothing except your own understanding.
"""

import jax, jax.numpy as jnp
import numpy as np

MAX_SEQ_LEN = 32
EMBED_SIZE = 128
MAX_TIME = 30.0


def _make_sinusoidal_table():
    pos = jnp.arange(MAX_SEQ_LEN, dtype=jnp.float32)
    freqs = jnp.arange(0, EMBED_SIZE, 2, dtype=jnp.float32)
    inverse_freqs = 1.0 / MAX_TIME ** (freqs / EMBED_SIZE)
    pos_emb = jnp.einsum('i,j->ij', pos, inverse_freqs)
    return jnp.concatenate([jnp.sin(pos_emb), jnp.cos(pos_emb)], -1)


def setup_inputs(seed: int = 0) -> dict:
    key = jax.random.key(seed)
    x = jax.random.randint(key, (16384, 32), 0, MAX_SEQ_LEN, dtype=jnp.int32)
    weight = _make_sinusoidal_table()  # [32, 128], the Embedding's weight
    return {"x": x, "weight": weight}


def reference(x, weight):
    # equinox enn.Embedding.__call__ is weight[x]; vmapped over batch/seq dims
    # this is exactly a row-gather from the embedding table
    return jnp.take(weight, x, axis=0)

if __name__ == "__main__":
    import jax
    _d = setup_inputs()
    print(jax.jit(kernel)(*tuple(_d.values())))

</pallas_src>

<mosaic_0001>
#map = affine_map<(d0, d1) -> (0, 0, 0)>
#map1 = affine_map<(d0, d1) -> (0, 0)>
module attributes {stable_mosaic.version = 14 : i64} {
  func.func @_gather_all(%arg0: i32, %arg1: i32, %arg2: memref<32x128x128xi32, #tpu.memory_space<hbm>>, %arg3: memref<32x128xf32, #tpu.memory_space<hbm>>, %arg4: memref<524288x128xf32, #tpu.memory_space<hbm>>, %arg5: memref<128x128xi32, #tpu.memory_space<vmem>>, %arg6: memref<384x128xf32, #tpu.memory_space<vmem>>, %arg7: memref<384x128xf32, #tpu.memory_space<vmem>>, %arg8: memref<32x128xf32, #tpu.memory_space<vmem_shared>>, %arg9: memref<!tpu.dma_semaphore, #tpu.memory_space<semaphore_mem>>, %arg10: memref<!tpu.dma_semaphore, #tpu.memory_space<semaphore_mem>>, %arg11: memref<!tpu.dma_semaphore, #tpu.memory_space<semaphore_mem>>, %arg12: memref<!tpu.dma_semaphore, #tpu.memory_space<semaphore_mem>>) attributes {dimension_semantics = [#tpu.dimension_semantics<core_parallel>, #tpu.dimension_semantics<subcore_parallel>], iteration_bounds = array<i64: 2, 16>, scalar_prefetch = 0 : i64, scratch_operands = 8 : i64, tpu.core_type = #tpu.core_type<sc_vector_subcore>, window_params = [{transform_indices = #map}, {transform_indices = #map1}, {transform_indices = #map1}]} {
    %mul3A = arith.constant 2 : i32
    %mul3A_0 = arith.muli %arg1, %mul3A : i32
    %add3A = arith.addi %mul3A_0, %arg0 : i32
    %mul3A_1 = arith.constant 16384 : i32
    %mul3A_2 = arith.muli %add3A, %mul3A_1 : i32
    %eq3A = arith.constant 0 : i32
    %eq3A_3 = arith.cmpi eq, %arg1, %eq3A : i32
    %convert_element_type3A = arith.extui %eq3A_3 : i1 to i32
    %cond3A = arith.constant 0 : i32
    %cond3A_4 = arith.cmpi ne, %convert_element_type3A, %cond3A : i32
    scf.if %cond3A_4 {
      "tpu.region"() ({
        %run_scoped3A = tpu.sem_alloc : memref<!tpu.dma_semaphore, #tpu.memory_space<semaphore_mem>>
        tpu.enqueue_dma source(%arg3 : memref<32x128xf32, #tpu.memory_space<hbm>>) target(%arg8 : memref<32x128xf32, #tpu.memory_space<vmem_shared>>) target_semaphore(%run_scoped3A : memref<!tpu.dma_semaphore, #tpu.memory_space<semaphore_mem>>)
        tpu.wait_dma2 semaphore(%run_scoped3A : memref<!tpu.dma_semaphore, #tpu.memory_space<semaphore_mem>>) src(%arg3 : memref<32x128xf32, #tpu.memory_space<hbm>>) dst(%arg8 : memref<32x128xf32, #tpu.memory_space<vmem_shared>>)
        tpu.yield
      }) : () -> ()
    } else {
    }
    "tpu.region"() ({
      %run_scoped3A = tpu.sem_alloc : memref<!tpu.dma_semaphore, #tpu.memory_space<semaphore_mem>>
      %dma_start3A_271 = arith.constant 0 : i32
      %dma_start3A_272 = arith.constant 0 : i32
      %dma_start3A_273 = tpu.memref_slice %arg2[%add3A, %dma_start3A_271, %dma_start3A_272] : memref<32x128x128xi32, #tpu.memory_space<hbm>> -> memref<1x128x128xi32, #tpu.memory_space<hbm>>
      %dma_start3A_274 = tpu.memref_squeeze %dma_start3A_273 : memref<1x128x128xi32, #tpu.memory_space<hbm>> -> memref<128x128xi32, #tpu.memory_space<hbm>>
      %dma_start3A_275 = arith.constant 0 : i32
      %dma_start3A_276 = arith.constant 0 : i32
      %dma_start3A_277 = tpu.memref_slice %arg2[%add3A, %dma_start3A_275, %dma_start3A_276] : memref<32x128x128xi32, #tpu.memory_space<hbm>> -> memref<1x128x128xi32, #tpu.memory_space<hbm>>
      %dma_start3A_278 = tpu.memref_squeeze %dma_start3A_277 : memref<1x128x128xi32, #tpu.memory_space<hbm>> -> memref<128x128xi32, #tpu.memory_space<hbm>>
      tpu.enqueue_dma source(%dma_start3A_278 : memref<128x128xi32, #tpu.memory_space<hbm>>) target(%arg5 : memref<128x128xi32, #tpu.memory_space<vmem>>) target_semaphore(%run_scoped3A : memref<!tpu.dma_semaphore, #tpu.memory_space<semaphore_mem>>)
      %dma_wait3A_279 = arith.constant 0 : i32
      %dma_wait3A_280 = arith.constant 0 : i32
      %dma_wait3A_281 = tpu.memref_slice %arg2[%add3A, %dma_wait3A_279, %dma_wait3A_280] : memref<32x128x128xi32, #tpu.memory_space<hbm>> -> memref<1x128x128xi32, #tpu.memory_space<hbm>>
      %dma_wait3A_282 = tpu.memref_squeeze %dma_wait3A_281 : memref<1x128x128xi32, #tpu.memory_space<hbm>> -> memref<128x128xi32, #tpu.memory_space<hbm>>
      %dma_wait3A_283 = arith.constant 0 : i32
      %dma_wait3A_284 = arith.constant 0 : i32
      %dma_wait3A_285 = tpu.memref_slice %arg2[%add3A, %dma_wait3A_283, %dma_wait3A_284] : memref<32x128x128xi32, #tpu.memory_space<hbm>> -> memref<1x128x128xi32, #tpu.memory_space<hbm>>
      %dma_wait3A_286 = tpu.memref_squeeze %dma_wait3A_285 : memref<1x128x128xi32, #tpu.memory_space<hbm>> -> memref<128x128xi32, #tpu.memory_space<hbm>>
      tpu.wait_dma2 semaphore(%run_scoped3A : memref<!tpu.dma_semaphore, #tpu.memory_space<semaphore_mem>>) src(%dma_wait3A_286 : memref<128x128xi32, #tpu.memory_space<hbm>>) dst(%arg5 : memref<128x128xi32, #tpu.memory_space<vmem>>)
      tpu.yield
    }) : () -> ()
    %barrier3A = arith.constant 0 : index
    tpu.barrier barrier_id(%barrier3A)
    %min3A = arith.constant 0 : i32
    %min3A_5 = arith.constant 127 : i32
    %min3A_6 = arith.minsi %min3A, %min3A_5 : i32
    %dma_start3A = arith.constant 0 : i32
    %dma_start3A_7 = arith.constant 0 : i32
    %dma_start3A_8 = tpu.memref_slice %arg6[%dma_start3A, %dma_start3A_7] : memref<384x128xf32, #tpu.memory_space<vmem>> -> memref<128x128xf32, #tpu.memory_space<vmem>>
    %dma_start3A_9 = arith.constant 0 : i32
    %dma_start3A_10 = tpu.memref_slice %arg5[%min3A_6, %dma_start3A_9] : memref<128x128xi32, #tpu.memory_space<vmem>> -> memref<1x128xi32, #tpu.memory_space<vmem>>
    %dma_start3A_11 = tpu.memref_squeeze %dma_start3A_10 : memref<1x128xi32, #tpu.memory_space<vmem>> -> memref<128xi32, #tpu.memory_space<vmem>>
    %dma_start3A_12 = arith.constant 0 : i32
    %dma_start3A_13 = arith.constant 0 : i32
    %dma_start3A_14 = tpu.memref_slice %arg8[%dma_start3A_12, %dma_start3A_13] : memref<32x128xf32, #tpu.memory_space<vmem_shared>> -> memref<32x128xf32, #tpu.memory_space<vmem_shared>>
    tpu.enqueue_indirect_dma source(%dma_start3A_14 : memref<32x128xf32, #tpu.memory_space<vmem_shared>>) target(%dma_start3A_8 : memref<128x128xf32, #tpu.memory_space<vmem>>) offsets(%dma_start3A_11 : memref<128xi32, #tpu.memory_space<vmem>>) semaphore(%arg9 : memref<!tpu.dma_semaphore, #tpu.memory_space<semaphore_mem>>)
    %min3A_15 = arith.constant 1 : i32
    %min3A_16 = arith.constant 127 : i32
    %min3A_17 = arith.minsi %min3A_15, %min3A_16 : i32
    %dma_start3A_18 = arith.constant 128 : i32
    %dma_start3A_19 = arith.constant 0 : i32
    %dma_start3A_20 = tpu.memref_slice %arg6[%dma_start3A_18, %dma_start3A_19] : memref<384x128xf32, #tpu.memory_space<vmem>> -> memref<128x128xf32, #tpu.memory_space<vmem>>
    %dma_start3A_21 = arith.constant 0 : i32
    %dma_start3A_22 = tpu.memref_slice %arg5[%min3A_17, %dma_start3A_21] : memref<128x128xi32, #tpu.memory_space<vmem>> -> memref<1x128xi32, #tpu.memory_space<vmem>>
    %dma_start3A_23 = tpu.memref_squeeze %dma_start3A_22 : memref<1x128xi32, #tpu.memory_space<vmem>> -> memref<128xi32, #tpu.memory_space<vmem>>
    %dma_start3A_24 = arith.constant 0 : i32
    %dma_start3A_25 = arith.constant 0 : i32
    %dma_start3A_26 = tpu.memref_slice %arg8[%dma_start3A_24, %dma_start3A_25] : memref<32x128xf32, #tpu.memory_space<vmem_shared>> -> memref<32x128xf32, #tpu.memory_space<vmem_shared>>
    tpu.enqueue_indirect_dma source(%dma_start3A_26 : memref<32x128xf32, #tpu.memory_space<vmem_shared>>) target(%dma_start3A_20 : memref<128x128xf32, #tpu.memory_space<vmem>>) offsets(%dma_start3A_23 : memref<128xi32, #tpu.memory_space<vmem>>) semaphore(%arg9 : memref<!tpu.dma_semaphore, #tpu.memory_space<semaphore_mem>>)
    %min3A_27 = arith.constant 2 : i32
    %min3A_28 = arith.constant 127 : i32
    %min3A_29 = arith.minsi %min3A_27, %min3A_28 : i32
    %dma_start3A_30 = arith.constant 256 : i32
    %dma_start3A_31 = arith.constant 0 : i32
    %dma_start3A_32 = tpu.memref_slice %arg6[%dma_start3A_30, %dma_start3A_31] : memref<384x128xf32, #tpu.memory_space<vmem>> -> memref<128x128xf32, #tpu.memory_space<vmem>>
    %dma_start3A_33 = arith.constant 0 : i32
    %dma_start3A_34 = tpu.memref_slice %arg5[%min3A_29, %dma_start3A_33] : memref<128x128xi32, #tpu.memory_space<vmem>> -> memref<1x128xi32, #tpu.memory_space<vmem>>
    %dma_start3A_35 = tpu.memref_squeeze %dma_start3A_34 : memref<1x128xi32, #tpu.memory_space<vmem>> -> memref<128xi32, #tpu.memory_space<vmem>>
    %dma_start3A_36 = arith.constant 0 : i32
    %dma_start3A_37 = arith.constant 0 : i32
    %dma_start3A_38 = tpu.memref_slice %arg8[%dma_start3A_36, %dma_start3A_37] : memref<32x128xf32, #tpu.memory_space<vmem_shared>> -> memref<32x128xf32, #tpu.memory_space<vmem_shared>>
    tpu.enqueue_indirect_dma source(%dma_start3A_38 : memref<32x128xf32, #tpu.memory_space<vmem_shared>>) target(%dma_start3A_32 : memref<128x128xf32, #tpu.memory_space<vmem>>) offsets(%dma_start3A_35 : memref<128xi32, #tpu.memory_space<vmem>>) semaphore(%arg9 : memref<!tpu.dma_semaphore, #tpu.memory_space<semaphore_mem>>)
    %dma_wait3A = arith.constant 0 : i32
    %dma_wait3A_39 = arith.constant 0 : i32
    %dma_wait3A_40 = arith.constant 0 : i32
    %dma_wait3A_41 = tpu.memref_slice %arg6[%dma_wait3A_39, %dma_wait3A_40] : memref<384x128xf32, #tpu.memory_space<vmem>> -> memref<128x128xf32, #tpu.memory_space<vmem>>
    %dma_wait3A_42 = arith.constant 0 : i32
    %dma_wait3A_43 = tpu.memref_slice %arg5[%dma_wait3A, %dma_wait3A_42] : memref<128x128xi32, #tpu.memory_space<vmem>> -> memref<1x128xi32, #tpu.memory_space<vmem>>
    %dma_wait3A_44 = tpu.memref_squeeze %dma_wait3A_43 : memref<1x128xi32, #tpu.memory_space<vmem>> -> memref<128xi32, #tpu.memory_space<vmem>>
    %dma_wait3A_45 = arith.constant 0 : i32
    %dma_wait3A_46 = arith.constant 0 : i32
    %dma_wait3A_47 = tpu.memref_slice %arg8[%dma_wait3A_45, %dma_wait3A_46] : memref<32x128xf32, #tpu.memory_space<vmem_shared>> -> memref<32x128xf32, #tpu.memory_space<vmem_shared>>
    tpu.wait_indirect_dma semaphore(%arg9 : memref<!tpu.dma_semaphore, #tpu.memory_space<semaphore_mem>>) src(%dma_wait3A_47 : memref<32x128xf32, #tpu.memory_space<vmem_shared>>) dst(%dma_wait3A_41 : memref<128x128xf32, #tpu.memory_space<vmem>>)
    %dma_wait3A_48 = arith.constant 0 : i32
    %dma_wait3A_49 = arith.constant 128 : i32
    %dma_wait3A_50 = arith.constant 0 : i32
    %dma_wait3A_51 = tpu.memref_slice %arg6[%dma_wait3A_49, %dma_wait3A_50] : memref<384x128xf32, #tpu.memory_space<vmem>> -> memref<128x128xf32, #tpu.memory_space<vmem>>
    %dma_wait3A_52 = arith.constant 0 : i32
    %dma_wait3A_53 = tpu.memref_slice %arg5[%dma_wait3A_48, %dma_wait3A_52] : memref<128x128xi32, #tpu.memory_space<vmem>> -> memref<1x128xi32, #tpu.memory_space<vmem>>
    %dma_wait3A_54 = tpu.memref_squeeze %dma_wait3A_53 : memref<1x128xi32, #tpu.memory_space<vmem>> -> memref<128xi32, #tpu.memory_space<vmem>>
    %dma_wait3A_55 = arith.constant 0 : i32
    %dma_wait3A_56 = arith.constant 0 : i32
    %dma_wait3A_57 = tpu.memref_slice %arg8[%dma_wait3A_55, %dma_wait3A_56] : memref<32x128xf32, #tpu.memory_space<vmem_shared>> -> memref<32x128xf32, #tpu.memory_space<vmem_shared>>
    tpu.wait_indirect_dma semaphore(%arg9 : memref<!tpu.dma_semaphore, #tpu.memory_space<semaphore_mem>>) src(%dma_wait3A_57 : memref<32x128xf32, #tpu.memory_space<vmem_shared>>) dst(%dma_wait3A_51 : memref<128x128xf32, #tpu.memory_space<vmem>>)
    %dma_wait3A_58 = arith.constant 0 : i32
    %dma_wait3A_59 = arith.constant 256 : i32
    %dma_wait3A_60 = arith.constant 0 : i32
    %dma_wait3A_61 = tpu.memref_slice %arg6[%dma_wait3A_59, %dma_wait3A_60] : memref<384x128xf32, #tpu.memory_space<vmem>> -> memref<128x128xf32, #tpu.memory_space<vmem>>
    %dma_wait3A_62 = arith.constant 0 : i32
    %dma_wait3A_63 = tpu.memref_slice %arg5[%dma_wait3A_58, %dma_wait3A_62] : memref<128x128xi32, #tpu.memory_space<vmem>> -> memref<1x128xi32, #tpu.memory_space<vmem>>
    %dma_wait3A_64 = tpu.memref_squeeze %dma_wait3A_63 : memref<1x128xi32, #tpu.memory_space<vmem>> -> memref<128xi32, #tpu.memory_space<vmem>>
    %dma_wait3A_65 = arith.constant 0 : i32
    %dma_wait3A_66 = arith.constant 0 : i32
    %dma_wait3A_67 = tpu.memref_slice %arg8[%dma_wait3A_65, %dma_wait3A_66] : memref<32x128xf32, #tpu.memory_space<vmem_shared>> -> memref<32x128xf32, #tpu.memory_space<vmem_shared>>
    tpu.wait_indirect_dma semaphore(%arg9 : memref<!tpu.dma_semaphore, #tpu.memory_space<semaphore_mem>>) src(%dma_wait3A_67 : memref<32x128xf32, #tpu.memory_space<vmem_shared>>) dst(%dma_wait3A_61 : memref<128x128xf32, #tpu.memory_space<vmem>>)
    %add3A_68 = arith.constant 0 : i32
    %add3A_69 = arith.addi %mul3A_2, %add3A_68 : i32
    %dma_start3A_70 = arith.constant 0 : i32
    %dma_start3A_71 = arith.constant 0 : i32
    %dma_start3A_72 = tpu.memref_slice %arg6[%dma_start3A_70, %dma_start3A_71] : memref<384x128xf32, #tpu.memory_space<vmem>> -> memref<384x128xf32, #tpu.memory_space<vmem>>
    %dma_start3A_73 = arith.constant 0 : i32
    %dma_start3A_74 = tpu.memref_slice %arg4[%add3A_69, %dma_start3A_73] : memref<524288x128xf32, #tpu.memory_space<hbm>> -> memref<384x128xf32, #tpu.memory_space<hbm>>
    %dma_start3A_75 = arith.constant 0 : i32
    %dma_start3A_76 = tpu.memref_slice %arg4[%add3A_69, %dma_start3A_75] : memref<524288x128xf32, #tpu.memory_space<hbm>> -> memref<384x128xf32, #tpu.memory_space<hbm>>
    %dma_start3A_77 = arith.constant 0 : i32
    %dma_start3A_78 = arith.constant 0 : i32
    %dma_start3A_79 = tpu.memref_slice %arg6[%dma_start3A_77, %dma_start3A_78] : memref<384x128xf32, #tpu.memory_space<vmem>> -> memref<384x128xf32, #tpu.memory_space<vmem>>
    tpu.enqueue_dma source(%dma_start3A_79 : memref<384x128xf32, #tpu.memory_space<vmem>>) target(%dma_start3A_76 : memref<384x128xf32, #tpu.memory_space<hbm>>) target_semaphore(%arg11 : memref<!tpu.dma_semaphore, #tpu.memory_space<semaphore_mem>>)
    %min3A_80 = arith.constant 3 : i32
    %min3A_81 = arith.constant 127 : i32
    %min3A_82 = arith.minsi %min3A_80, %min3A_81 : i32
    %dma_start3A_83 = arith.constant 0 : i32
    %dma_start3A_84 = arith.constant 0 : i32
    %dma_start3A_85 = tpu.memref_slice %arg7[%dma_start3A_83, %dma_start3A_84] : memref<384x128xf32, #tpu.memory_space<vmem>> -> memref<128x128xf32, #tpu.memory_space<vmem>>
    %dma_start3A_86 = arith.constant 0 : i32
    %dma_start3A_87 = tpu.memref_slice %arg5[%min3A_82, %dma_start3A_86] : memref<128x128xi32, #tpu.memory_space<vmem>> -> memref<1x128xi32, #tpu.memory_space<vmem>>
    %dma_start3A_88 = tpu.memref_squeeze %dma_start3A_87 : memref<1x128xi32, #tpu.memory_space<vmem>> -> memref<128xi32, #tpu.memory_space<vmem>>
    %dma_start3A_89 = arith.constant 0 : i32
    %dma_start3A_90 = arith.constant 0 : i32
    %dma_start3A_91 = tpu.memref_slice %arg8[%dma_start3A_89, %dma_start3A_90] : memref<32x128xf32, #tpu.memory_space<vmem_shared>> -> memref<32x128xf32, #tpu.memory_space<vmem_shared>>
    tpu.enqueue_indirect_dma source(%dma_start3A_91 : memref<32x128xf32, #tpu.memory_space<vmem_shared>>) target(%dma_start3A_85 : memref<128x128xf32, #tpu.memory_space<vmem>>) offsets(%dma_start3A_88 : memref<128xi32, #tpu.memory_space<vmem>>) semaphore(%arg10 : memref<!tpu.dma_semaphore, #tpu.memory_space<semaphore_mem>>)
    %min3A_92 = arith.constant 4 : i32
    %min3A_93 = arith.constant 127 : i32
    %min3A_94 = arith.minsi %min3A_92, %min3A_93 : i32
    %dma_start3A_95 = arith.constant 128 : i32
    %dma_start3A_96 = arith.constant 0 : i32
    %dma_start3A_97 = tpu.memref_slice %arg7[%dma_start3A_95, %dma_start3A_96] : memref<384x128xf32, #tpu.memory_space<vmem>> -> memref<128x128xf32, #tpu.memory_space<vmem>>
    %dma_start3A_98 = arith.constant 0 : i32
    %dma_start3A_99 = tpu.memref_slice %arg5[%min3A_94, %dma_start3A_98] : memref<128x128xi32, #tpu.memory_space<vmem>> -> memref<1x128xi32, #tpu.memory_space<vmem>>
    %dma_start3A_100 = tpu.memref_squeeze %dma_start3A_99 : memref<1x128xi32, #tpu.memory_space<vmem>> -> memref<128xi32, #tpu.memory_space<vmem>>
    %dma_start3A_101 = arith.constant 0 : i32
    %dma_start3A_102 = arith.constant 0 : i32
    %dma_start3A_103 = tpu.memref_slice %arg8[%dma_start3A_101, %dma_start3A_102] : memref<32x128xf32, #tpu.memory_space<vmem_shared>> -> memref<32x128xf32, #tpu.memory_space<vmem_shared>>
    tpu.enqueue_indirect_dma source(%dma_start3A_103 : memref<32x128xf32, #tpu.memory_space<vmem_shared>>) target(%dma_start3A_97 : memref<128x128xf32, #tpu.memory_space<vmem>>) offsets(%dma_start3A_100 : memref<128xi32, #tpu.memory_space<vmem>>) semaphore(%arg10 : memref<!tpu.dma_semaphore, #tpu.memory_space<semaphore_mem>>)
    %min3A_104 = arith.constant 5 : i32
    %min3A_105 = arith.constant 127 : i32
    %min3A_106 = arith.minsi %min3A_104, %min3A_105 : i32
    %dma_start3A_107 = arith.constant 256 : i32
    %dma_start3A_108 = arith.constant 0 : i32
    %dma_start3A_109 = tpu.memref_slice %arg7[%dma_start3A_107, %dma_start3A_108] : memref<384x128xf32, #tpu.memory_space<vmem>> -> memref<128x128xf32, #tpu.memory_space<vmem>>
    %dma_start3A_110 = arith.constant 0 : i32
    %dma_start3A_111 = tpu.memref_slice %arg5[%min3A_106, %dma_start3A_110] : memref<128x128xi32, #tpu.memory_space<vmem>> -> memref<1x128xi32, #tpu.memory_space<vmem>>
    %dma_start3A_112 = tpu.memref_squeeze %dma_start3A_111 : memref<1x128xi32, #tpu.memory_space<vmem>> -> memref<128xi32, #tpu.memory_space<vmem>>
    %dma_start3A_113 = arith.constant 0 : i32
    %dma_start3A_114 = arith.constant 0 : i32
    %dma_start3A_115 = tpu.memref_slice %arg8[%dma_start3A_113, %dma_start3A_114] : memref<32x128xf32, #tpu.memory_space<vmem_shared>> -> memref<32x128xf32, #tpu.memory_space<vmem_shared>>
    tpu.enqueue_indirect_dma source(%dma_start3A_115 : memref<32x128xf32, #tpu.memory_space<vmem_shared>>) target(%dma_start3A_109 : memref<128x128xf32, #tpu.memory_space<vmem>>) offsets(%dma_start3A_112 : memref<128xi32, #tpu.memory_space<vmem>>) semaphore(%arg10 : memref<!tpu.dma_semaphore, #tpu.memory_space<semaphore_mem>>)
    %dma_wait3A_116 = arith.constant 0 : i32
    %dma_wait3A_117 = arith.constant 0 : i32
    %dma_wait3A_118 = arith.constant 0 : i32
    %dma_wait3A_119 = tpu.memref_slice %arg7[%dma_wait3A_117, %dma_wait3A_118] : memref<384x128xf32, #tpu.memory_space<vmem>> -> memref<128x128xf32, #tpu.memory_space<vmem>>
    %dma_wait3A_120 = arith.constant 0 : i32
    %dma_wait3A_121 = tpu.memref_slice %arg5[%dma_wait3A_116, %dma_wait3A_120] : memref<128x128xi32, #tpu.memory_space<vmem>> -> memref<1x128xi32, #tpu.memory_space<vmem>>
    %dma_wait3A_122 = tpu.memref_squeeze %dma_wait3A_121 : memref<1x128xi32, #tpu.memory_space<vmem>> -> memref<128xi32, #tpu.memory_space<vmem>>
    %dma_wait3A_123 = arith.constant 0 : i32
    %dma_wait3A_124 = arith.constant 0 : i32
    %dma_wait3A_125 = tpu.memref_slice %arg8[%dma_wait3A_123, %dma_wait3A_124] : memref<32x128xf32, #tpu.memory_space<vmem_shared>> -> memref<32x128xf32, #tpu.memory_space<vmem_shared>>
    tpu.wait_indirect_dma semaphore(%arg10 : memref<!tpu.dma_semaphore, #tpu.memory_space<semaphore_mem>>) src(%dma_wait3A_125 : memref<32x128xf32, #tpu.memory_space<vmem_shared>>) dst(%dma_wait3A_119 : memref<128x128xf32, #tpu.memory_space<vmem>>)
    %dma_wait3A_126 = arith.constant 0 : i32
    %dma_wait3A_127 = arith.constant 128 : i32
    %dma_wait3A_128 = arith.constant 0 : i32
    %dma_wait3A_129 = tpu.memref_slice %arg7[%dma_wait3A_127, %dma_wait3A_128] : memref<384x128xf32, #tpu.memory_space<vmem>> -> memref<128x128xf32, #tpu.memory_space<vmem>>
    %dma_wait3A_130 = arith.constant 0 : i32
    %dma_wait3A_131 = tpu.memref_slice %arg5[%dma_wait3A_126, %dma_wait3A_130] : memref<128x128xi32, #tpu.memory_space<vmem>> -> memref<1x128xi32, #tpu.memory_space<vmem>>
    %dma_wait3A_132 = tpu.memref_squeeze %dma_wait3A_131 : memref<1x128xi32, #tpu.memory_space<vmem>> -> memref<128xi32, #tpu.memory_space<vmem>>
    %dma_wait3A_133 = arith.constant 0 : i32
    %dma_wait3A_134 = arith.constant 0 : i32
    %dma_wait3A_135 = tpu.memref_slice %arg8[%dma_wait3A_133, %dma_wait3A_134] : memref<32x128xf32, #tpu.memory_space<vmem_shared>> -> memref<32x128xf32, #tpu.memory_space<vmem_shared>>
    tpu.wait_indirect_dma semaphore(%arg10 : memref<!tpu.dma_semaphore, #tpu.memory_space<semaphore_mem>>) src(%dma_wait3A_135 : memref<32x128xf32, #tpu.memory_space<vmem_shared>>) dst(%dma_wait3A_129 : memref<128x128xf32, #tpu.memory_space<vmem>>)
    %dma_wait3A_136 = arith.constant 0 : i32
    %dma_wait3A_137 = arith.constant 256 : i32
    %dma_wait3A_138 = arith.constant 0 : i32
    %dma_wait3A_139 = tpu.memref_slice %arg7[%dma_wait3A_137, %dma_wait3A_138] : memref<384x128xf32, #tpu.memory_space<vmem>> -> memref<128x128xf32, #tpu.memory_space<vmem>>
    %dma_wait3A_140 = arith.constant 0 : i32
    %dma_wait3A_141 = tpu.memref_slice %arg5[%dma_wait3A_136, %dma_wait3A_140] : memref<128x128xi32, #tpu.memory_space<vmem>> -> memref<1x128xi32, #tpu.memory_space<vmem>>
    %dma_wait3A_142 = tpu.memref_squeeze %dma_wait3A_141 : memref<1x128xi32, #tpu.memory_space<vmem>> -> memref<128xi32, #tpu.memory_space<vmem>>
    %dma_wait3A_143 = arith.constant 0 : i32
    %dma_wait3A_144 = arith.constant 0 : i32
    %dma_wait3A_145 = tpu.memref_slice %arg8[%dma_wait3A_143, %dma_wait3A_144] : memref<32x128xf32, #tpu.memory_space<vmem_shared>> -> memref<32x128xf32, #tpu.memory_space<vmem_shared>>
    tpu.wait_indirect_dma semaphore(%arg10 : memref<!tpu.dma_semaphore, #tpu.memory_space<semaphore_mem>>) src(%dma_wait3A_145 : memref<32x128xf32, #tpu.memory_space<vmem_shared>>) dst(%dma_wait3A_139 : memref<128x128xf32, #tpu.memory_space<vmem>>)
    %add3A_146 = arith.constant 384 : i32
    %add3A_147 = arith.addi %mul3A_2, %add3A_146 : i32
    %dma_start3A_148 = arith.constant 0 : i32
    %dma_start3A_149 = arith.constant 0 : i32
    %dma_start3A_150 = tpu.memref_slice %arg7[%dma_start3A_148, %dma_start3A_149] : memref<384x128xf32, #tpu.memory_space<vmem>> -> memref<384x128xf32, #tpu.memory_space<vmem>>
    %dma_start3A_151 = arith.constant 0 : i32
    %dma_start3A_152 = tpu.memref_slice %arg4[%add3A_147, %dma_start3A_151] : memref<524288x128xf32, #tpu.memory_space<hbm>> -> memref<384x128xf32, #tpu.memory_space<hbm>>
    %dma_start3A_153 = arith.constant 0 : i32
    %dma_start3A_154 = tpu.memref_slice %arg4[%add3A_147, %dma_start3A_153] : memref<524288x128xf32, #tpu.memory_space<hbm>> -> memref<384x128xf32, #tpu.memory_space<hbm>>
    %dma_start3A_155 = arith.constant 0 : i32
    %dma_start3A_156 = arith.constant 0 : i32
    %dma_start3A_157 = tpu.memref_slice %arg7[%dma_start3A_155, %dma_start3A_156] : memref<384x128xf32, #tpu.memory_space<vmem>> -> memref<384x128xf32, #tpu.memory_space<vmem>>
    tpu.enqueue_dma source(%dma_start3A_157 : memref<384x128xf32, #tpu.memory_space<vmem>>) target(%dma_start3A_154 : memref<384x128xf32, #tpu.memory_space<hbm>>) target_semaphore(%arg12 : memref<!tpu.dma_semaphore, #tpu.memory_space<semaphore_mem>>)
    %dma_wait3A_158 = arith.constant 0 : i32
    %dma_wait3A_159 = arith.constant 0 : i32
    %dma_wait3A_160 = tpu.memref_slice %arg6[%dma_wait3A_158, %dma_wait3A_159] : memref<384x128xf32, #tpu.memory_space<vmem>> -> memref<384x128xf32, #tpu.memory_space<vmem>>
    %dma_wait3A_161 = arith.constant 0 : i32
    %dma_wait3A_162 = tpu.memref_slice %arg4[%mul3A_2, %dma_wait3A_161] : memref<524288x128xf32, #tpu.memory_space<hbm>> -> memref<384x128xf32, #tpu.memory_space<hbm>>
    %dma_wait3A_163 = arith.constant 0 : i32
    %dma_wait3A_164 = tpu.memref_slice %arg4[%mul3A_2, %dma_wait3A_163] : memref<524288x128xf32, #tpu.memory_space<hbm>> -> memref<384x128xf32, #tpu.memory_space<hbm>>
    %dma_wait3A_165 = arith.constant 0 : i32
    %dma_wait3A_166 = arith.constant 0 : i32
    %dma_wait3A_167 = tpu.memref_slice %arg6[%dma_wait3A_165, %dma_wait3A_166] : memref<384x128xf32, #tpu.memory_space<vmem>> -> memref<384x128xf32, #tpu.memory_space<vmem>>
    tpu.wait_dma2 semaphore(%arg11 : memref<!tpu.dma_semaphore, #tpu.memory_space<semaphore_mem>>) src(%dma_wait3A_167 : memref<384x128xf32, #tpu.memory_space<vmem>>) dst(%dma_wait3A_164 : memref<384x128xf32, #tpu.memory_space<hbm>>)
    %min3A_168 = arith.constant 6 : i32
    %min3A_169 = arith.constant 127 : i32
    %min3A_170 = arith.minsi %min3A_168, %min3A_169 : i32
    %dma_start3A_171 = arith.constant 0 : i32
    %dma_start3A_172 = arith.constant 0 : i32
    %dma_start3A_173 = tpu.memref_slice %arg6[%dma_start3A_171, %dma_start3A_172] : memref<384x128xf32, #tpu.memory_space<vmem>> -> memref<128x128xf32, #tpu.memory_space<vmem>>
    %dma_start3A_174 = arith.constant 0 : i32
    %dma_start3A_175 = tpu.memref_slice %arg5[%min3A_170, %dma_start3A_174] : memref<128x128xi32, #tpu.memory_space<vmem>> -> memref<1x128xi32, #tpu.memory_space<vmem>>
    %dma_start3A_176 = tpu.memref_squeeze %dma_start3A_175 : memref<1x128xi32, #tpu.memory_space<vmem>> -> memref<128xi32, #tpu.memory_space<vmem>>
    %dma_start3A_177 = arith.constant 0 : i32
    %dma_start3A_178 = arith.constant 0 : i32
    %dma_start3A_179 = tpu.memref_slice %arg8[%dma_start3A_177, %dma_start3A_178] : memref<32x128xf32, #tpu.memory_space<vmem_shared>> -> memref<32x128xf32, #tpu.memory_space<vmem_shared>>
    tpu.enqueue_indirect_dma source(%dma_start3A_179 : memref<32x128xf32, #tpu.memory_space<vmem_shared>>) target(%dma_start3A_173 : memref<128x128xf32, #tpu.memory_space<vmem>>) offsets(%dma_start3A_176 : memref<128xi32, #tpu.memory_space<vmem>>) semaphore(%arg9 : memref<!tpu.dma_semaphore, #tpu.memory_space<semaphore_mem>>)
    %min3A_180 = arith.constant 7 : i32
    %min3A_181 = arith.constant 127 : i32
    %min3A_182 = arith.minsi %min3A_180, %min3A_181 : i32
    %dma_start3A_183 = arith.constant 128 : i32
    %dma_start3A_184 = arith.constant 0 : i32
    %dma_start3A_185 = tpu.memref_slice %arg6[%dma_start3A_183, %dma_start3A_184] : memref<384x128xf32, #tpu.memory_space<vmem>> -> memref<128x128xf32, #tpu.memory_space<vmem>>
    %dma_start3A_186 = arith.constant 0 : i32
    %dma_start3A_187 = tpu.memref_slice %arg5[%min3A_182, %dma_start3A_186] : memref<128x128xi32, #tpu.memory_space<vmem>> -> memref<1x128xi32, #tpu.memory_space<vmem>>
    %dma_start3A_188 = tpu.memref_squeeze %dma_start3A_187 : memref<1x128xi32, #tpu.memory_space<vmem>> -> memref<128xi32, #tpu.memory_space<vmem>>
    %dma_start3A_189 = arith.constant 0 : i32
    %dma_start3A_190 = arith.constant 0 : i32
    %dma_start3A_191 = tpu.memref_slice %arg8[%dma_start3A_189, %dma_start3A_190] : memref<32x128xf32, #tpu.memory_space<vmem_shared>> -> memref<32x128xf32, #tpu.memory_space<vmem_shared>>
    tpu.enqueue_indirect_dma source(%dma_start3A_191 : memref<32x128xf32, #tpu.memory_space<vmem_shared>>) target(%dma_start3A_185 : memref<128x128xf32, #tpu.memory_space<vmem>>) offsets(%dma_start3A_188 : memref<128xi32, #tpu.memory_space<vmem>>) semaphore(%arg9 : memref<!tpu.dma_semaphore, #tpu.memory_space<semaphore_mem>>)
    %min3A_192 = arith.constant 8 : i32
    %min3A_193 = arith.constant 127 : i32
    %min3A_194 = arith.minsi %min3A_192, %min3A_193 : i32
    %dma_start3A_195 = arith.constant 256 : i32
    %dma_start3A_196 = arith.constant 0 : i32
    %dma_start3A_197 = tpu.memref_slice %arg6[%dma_start3A_195, %dma_start3A_196] : memref<384x128xf32, #tpu.memory_space<vmem>> -> memref<128x128xf32, #tpu.memory_space<vmem>>
    %dma_start3A_198 = arith.constant 0 : i32
    %dma_start3A_199 = tpu.memref_slice %arg5[%min3A_194, %dma_start3A_198] : memref<128x128xi32, #tpu.memory_space<vmem>> -> memref<1x128xi32, #tpu.memory_space<vmem>>
    %dma_start3A_200 = tpu.memref_squeeze %dma_start3A_199 : memref<1x128xi32, #tpu.memory_space<vmem>> -> memref<128xi32, #tpu.memory_space<vmem>>
    %dma_start3A_201 = arith.constant 0 : i32
    %dma_start3A_202 = arith.constant 0 : i32
    %dma_start3A_203 = tpu.memref_slice %arg8[%dma_start3A_201, %dma_start3A_202] : memref<32x128xf32, #tpu.memory_space<vmem_shared>> -> memref<32x128xf32, #tpu.memory_space<vmem_shared>>
    tpu.enqueue_indirect_dma source(%dma_start3A_203 : memref<32x128xf32, #tpu.memory_space<vmem_shared>>) target(%dma_start3A_197 : memref<128x128xf32, #tpu.memory_space<vmem>>) offsets(%dma_start3A_200 : memref<128xi32, #tpu.memory_space<vmem>>) semaphore(%arg9 : memref<!tpu.dma_semaphore, #tpu.memory_space<semaphore_mem>>)
    %scan3A = arith.constant 0 : i32
    %scan3A_204 = arith.constant 1 : i32
    %scan3A_205 = arith.constant 20 : i32
    %scan3A_206 = arith.addi %scan3A_204, %scan3A_205 : i32
    %scan3A_207 = arith.constant 1 : i32
    scf.for %scan3A_271 = %scan3A_204 to %scan3A_206 step %scan3A_207  : i32 {
      %mul3A_272 = arith.constant 6 : i32
      %mul3A_273 = arith.muli %mul3A_272, %scan3A_271 : i32
      %dma_wait3A_274 = arith.constant 0 : i32
      %dma_wait3A_275 = arith.constant 0 : i32
      %dma_wait3A_276 = arith.constant 0 : i32
      %dma_wait3A_277 = tpu.memref_slice %arg6[%dma_wait3A_275, %dma_wait3A_276] : memref<384x128xf32, #tpu.memory_space<vmem>> -> memref<128x128xf32, #tpu.memory_space<vmem>>
      %dma_wait3A_278 = arith.constant 0 : i32
      %dma_wait3A_279 = tpu.memref_slice %arg5[%dma_wait3A_274, %dma_wait3A_278] : memref<128x128xi32, #tpu.memory_space<vmem>> -> memref<1x128xi32, #tpu.memory_space<vmem>>
      %dma_wait3A_280 = tpu.memref_squeeze %dma_wait3A_279 : memref<1x128xi32, #tpu.memory_space<vmem>> -> memref<128xi32, #tpu.memory_space<vmem>>
      %dma_wait3A_281 = arith.constant 0 : i32
      %dma_wait3A_282 = arith.constant 0 : i32
      %dma_wait3A_283 = tpu.memref_slice %arg8[%dma_wait3A_281, %dma_wait3A_282] : memref<32x128xf32, #tpu.memory_space<vmem_shared>> -> memref<32x128xf32, #tpu.memory_space<vmem_shared>>
      tpu.wait_indirect_dma semaphore(%arg9 : memref<!tpu.dma_semaphore, #tpu.memory_space<semaphore_mem>>) src(%dma_wait3A_283 : memref<32x128xf32, #tpu.memory_space<vmem_shared>>) dst(%dma_wait3A_277 : memref<128x128xf32, #tpu.memory_space<vmem>>)
      %dma_wait3A_284 = arith.constant 0 : i32
      %dma_wait3A_285 = arith.constant 128 : i32
      %dma_wait3A_286 = arith.constant 0 : i32
      %dma_wait3A_287 = tpu.memref_slice %arg6[%dma_wait3A_285, %dma_wait3A_286] : memref<384x128xf32, #tpu.memory_space<vmem>> -> memref<128x128xf32, #tpu.memory_space<vmem>>
      %dma_wait3A_288 = arith.constant 0 : i32
      %dma_wait3A_289 = tpu.memref_slice %arg5[%dma_wait3A_284, %dma_wait3A_288] : memref<128x128xi32, #tpu.memory_space<vmem>> -> memref<1x128xi32, #tpu.memory_space<vmem>>
      %dma_wait3A_290 = tpu.memref_squeeze %dma_wait3A_289 : memref<1x128xi32, #tpu.memory_space<vmem>> -> memref<128xi32, #tpu.memory_space<vmem>>
      %dma_wait3A_291 = arith.constant 0 : i32
      %dma_wait3A_292 = arith.constant 0 : i32
      %dma_wait3A_293 = tpu.memref_slice %arg8[%dma_wait3A_291, %dma_wait3A_292] : memref<32x128xf32, #tpu.memory_space<vmem_shared>> -> memref<32x128xf32, #tpu.memory_space<vmem_shared>>
      tpu.wait_indirect_dma semaphore(%arg9 : memref<!tpu.dma_semaphore, #tpu.memory_space<semaphore_mem>>) src(%dma_wait3A_293 : memref<32x128xf32, #tpu.memory_space<vmem_shared>>) dst(%dma_wait3A_287 : memref<128x128xf32, #tpu.memory_space<vmem>>)
      %dma_wait3A_294 = arith.constant 0 : i32
      %dma_wait3A_295 = arith.constant 256 : i32
      %dma_wait3A_296 = arith.constant 0 : i32
      %dma_wait3A_297 = tpu.memref_slice %arg6[%dma_wait3A_295, %dma_wait3A_296] : memref<384x128xf32, #tpu.memory_space<vmem>> -> memref<128x128xf32, #tpu.memory_space<vmem>>
      %dma_wait3A_298 = arith.constant 0 : i32
      %dma_wait3A_299 = tpu.memref_slice %arg5[%dma_wait3A_294, %dma_wait3A_298] : memref<128x128xi32, #tpu.memory_space<vmem>> -> memref<1x128xi32, #tpu.memory_space<vmem>>
      %dma_wait3A_300 = tpu.memref_squeeze %dma_wait3A_299 : memref<1x128xi32, #tpu.memory_space<vmem>> -> memref<128xi32, #tpu.memory_space<vmem>>
      %dma_wait3A_301 = arith.constant 0 : i32
      %dma_wait3A_302 = arith.constant 0 : i32
      %dma_wait3A_303 = tpu.memref_slice %arg8[%dma_wait3A_301, %dma_wait3A_302] : memref<32x128xf32, #tpu.memory_space<vmem_shared>> -> memref<32x128xf32, #tpu.memory_space<vmem_shared>>
      tpu.wait_indirect_dma semaphore(%arg9 : memref<!tpu.dma_semaphore, #tpu.memory_space<semaphore_mem>>) src(%dma_wait3A_303 : memref<32x128xf32, #tpu.memory_space<vmem_shared>>) dst(%dma_wait3A_297 : memref<128x128xf32, #tpu.memory_space<vmem>>)
      %mul3A_304 = arith.constant 128 : i32
      %mul3A_305 = arith.muli %mul3A_273, %mul3A_304 : i32
      %add3A_306 = arith.addi %mul3A_2, %mul3A_305 : i32
      %dma_start3A_307 = arith.constant 0 : i32
      %dma_start3A_308 = arith.constant 0 : i32
      %dma_start3A_309 = tpu.memref_slice %arg6[%dma_start3A_307, %dma_start3A_308] : memref<384x128xf32, #tpu.memory_space<vmem>> -> memref<384x128xf32, #tpu.memory_space<vmem>>
      %dma_start3A_310 = arith.constant 0 : i32
      %dma_start3A_311 = tpu.memref_slice %arg4[%add3A_306, %dma_start3A_310] : memref<524288x128xf32, #tpu.memory_space<hbm>> -> memref<384x128xf32, #tpu.memory_space<hbm>>
      %dma_start3A_312 = arith.constant 0 : i32
      %dma_start3A_313 = tpu.memref_slice %arg4[%add3A_306, %dma_start3A_312] : memref<524288x128xf32, #tpu.memory_space<hbm>> -> memref<384x128xf32, #tpu.memory_space<hbm>>
      %dma_start3A_314 = arith.constant 0 : i32
      %dma_start3A_315 = arith.constant 0 : i32
      %dma_start3A_316 = tpu.memref_slice %arg6[%dma_start3A_314, %dma_start3A_315] : memref<384x128xf32, #tpu.memory_space<vmem>> -> memref<384x128xf32, #tpu.memory_space<vmem>>
      tpu.enqueue_dma source(%dma_start3A_316 : memref<384x128xf32, #tpu.memory_space<vmem>>) target(%dma_start3A_313 : memref<384x128xf32, #tpu.memory_space<hbm>>) target_semaphore(%arg11 : memref<!tpu.dma_semaphore, #tpu.memory_space<semaphore_mem>>)
      %dma_wait3A_317 = arith.constant 0 : i32
      %dma_wait3A_318 = arith.constant 0 : i32
      %dma_wait3A_319 = tpu.memref_slice %arg7[%dma_wait3A_317, %dma_wait3A_318] : memref<384x128xf32, #tpu.memory_space<vmem>> -> memref<384x128xf32, #tpu.memory_space<vmem>>
      %dma_wait3A_320 = arith.constant 0 : i32
      %dma_wait3A_321 = tpu.memref_slice %arg4[%mul3A_2, %dma_wait3A_320] : memref<524288x128xf32, #tpu.memory_space<hbm>> -> memref<384x128xf32, #tpu.memory_space<hbm>>
      %dma_wait3A_322 = arith.constant 0 : i32
      %dma_wait3A_323 = tpu.memref_slice %arg4[%mul3A_2, %dma_wait3A_322] : memref<524288x128xf32, #tpu.memory_space<hbm>> -> memref<384x128xf32, #tpu.memory_space<hbm>>
      %dma_wait3A_324 = arith.constant 0 : i32
      %dma_wait3A_325 = arith.constant 0 : i32
      %dma_wait3A_326 = tpu.memref_slice %arg7[%dma_wait3A_324, %dma_wait3A_325] : memref<384x128xf32, #tpu.memory_space<vmem>> -> memref<384x128xf32, #tpu.memory_space<vmem>>
      tpu.wait_dma2 semaphore(%arg12 : memref<!tpu.dma_semaphore, #tpu.memory_space<semaphore_mem>>) src(%dma_wait3A_326 : memref<384x128xf32, #tpu.memory_space<vmem>>) dst(%dma_wait3A_323 : memref<384x128xf32, #tpu.memory_space<hbm>>)
      %add3A_327 = arith.constant 3 : i32
      %add3A_328 = arith.addi %mul3A_273, %add3A_327 : i32
      %add3A_329 = arith.constant 0 : i32
      %add3A_330 = arith.addi %add3A_328, %add3A_329 : i32
      %min3A_331 = arith.constant 127 : i32
      %min3A_332 = arith.minsi %add3A_330, %min3A_331 : i32
      %dma_start3A_333 = arith.constant 0 : i32
      %dma_start3A_334 = arith.constant 0 : i32
      %dma_start3A_335 = tpu.memref_slice %arg7[%dma_start3A_333, %dma_start3A_334] : memref<384x128xf32, #tpu.memory_space<vmem>> -> memref<128x128xf32, #tpu.memory_space<vmem>>
      %dma_start3A_336 = arith.constant 0 : i32
      %dma_start3A_337 = tpu.memref_slice %arg5[%min3A_332, %dma_start3A_336] : memref<128x128xi32, #tpu.memory_space<vmem>> -> memref<1x128xi32, #tpu.memory_space<vmem>>
      %dma_start3A_338 = tpu.memref_squeeze %dma_start3A_337 : memref<1x128xi32, #tpu.memory_space<vmem>> -> memref<128xi32, #tpu.memory_space<vmem>>
      %dma_start3A_339 = arith.constant 0 : i32
      %dma_start3A_340 = arith.constant 0 : i32
      %dma_start3A_341 = tpu.memref_slice %arg8[%dma_start3A_339, %dma_start3A_340] : memref<32x128xf32, #tpu.memory_space<vmem_shared>> -> memref<32x128xf32, #tpu.memory_space<vmem_shared>>
      tpu.enqueue_indirect_dma source(%dma_start3A_341 : memref<32x128xf32, #tpu.memory_space<vmem_shared>>) target(%dma_start3A_335 : memref<128x128xf32, #tpu.memory_space<vmem>>) offsets(%dma_start3A_338 : memref<128xi32, #tpu.memory_space<vmem>>) semaphore(%arg10 : memref<!tpu.dma_semaphore, #tpu.memory_space<semaphore_mem>>)
      %add3A_342 = arith.constant 1 : i32
      %add3A_343 = arith.addi %add3A_328, %add3A_342 : i32
      %min3A_344 = arith.constant 127 : i32
      %min3A_345 = arith.minsi %add3A_343, %min3A_344 : i32
      %dma_start3A_346 = arith.constant 128 : i32
      %dma_start3A_347 = arith.constant 0 : i32
      %dma_start3A_348 = tpu.memref_slice %arg7[%dma_start3A_346, %dma_start3A_347] : memref<384x128xf32, #tpu.memory_space<vmem>> -> memref<128x128xf32, #tpu.memory_space<vmem>>
      %dma_start3A_349 = arith.constant 0 : i32
      %dma_start3A_350 = tpu.memref_slice %arg5[%min3A_345, %dma_start3A_349] : memref<128x128xi32, #tpu.memory_space<vmem>> -> memref<1x128xi32, #tpu.memory_space<vmem>>
      %dma_start3A_351 = tpu.memref_squeeze %dma_start3A_350 : memref<1x128xi32, #tpu.memory_space<vmem>> -> memref<128xi32, #tpu.memory_space<vmem>>
      %dma_start3A_352 = arith.constant 0 : i32
      %dma_start3A_353 = arith.constant 0 : i32
      %dma_start3A_354 = tpu.memref_slice %arg8[%dma_start3A_352, %dma_start3A_353] : memref<32x128xf32, #tpu.memory_space<vmem_shared>> -> memref<32x128xf32, #tpu.memory_space<vmem_shared>>
      tpu.enqueue_indirect_dma source(%dma_start3A_354 : memref<32x128xf32, #tpu.memory_space<vmem_shared>>) target(%dma_start3A_348 : memref<128x128xf32, #tpu.memory_space<vmem>>) offsets(%dma_start3A_351 : memref<128xi32, #tpu.memory_space<vmem>>) semaphore(%arg10 : memref<!tpu.dma_semaphore, #tpu.memory_space<semaphore_mem>>)
      %add3A_355 = arith.constant 2 : i32
      %add3A_356 = arith.addi %add3A_328, %add3A_355 : i32
      %min3A_357 = arith.constant 127 : i32
      %min3A_358 = arith.minsi %add3A_356, %min3A_357 : i32
      %dma_start3A_359 = arith.constant 256 : i32
      %dma_start3A_360 = arith.constant 0 : i32
      %dma_start3A_361 = tpu.memref_slice %arg7[%dma_start3A_359, %dma_start3A_360] : memref<384x128xf32, #tpu.memory_space<vmem>> -> memref<128x128xf32, #tpu.memory_space<vmem>>
      %dma_start3A_362 = arith.constant 0 : i32
      %dma_start3A_363 = tpu.memref_slice %arg5[%min3A_358, %dma_start3A_362] : memref<128x128xi32, #tpu.memory_space<vmem>> -> memref<1x128xi32, #tpu.memory_space<vmem>>
      %dma_start3A_364 = tpu.memref_squeeze %dma_start3A_363 : memref<1x128xi32, #tpu.memory_space<vmem>> -> memref<128xi32, #tpu.memory_space<vmem>>
      %dma_start3A_365 = arith.constant 0 : i32
      %dma_start3A_366 = arith.constant 0 : i32
      %dma_start3A_367 = tpu.memref_slice %arg8[%dma_start3A_365, %dma_start3A_366] : memref<32x128xf32, #tpu.memory_space<vmem_shared>> -> memref<32x128xf32, #tpu.memory_space<vmem_shared>>
      tpu.enqueue_indirect_dma source(%dma_start3A_367 : memref<32x128xf32, #tpu.memory_space<vmem_shared>>) target(%dma_start3A_361 : memref<128x128xf32, #tpu.memory_space<vmem>>) offsets(%dma_start3A_364 : memref<128xi32, #tpu.memory_space<vmem>>) semaphore(%arg10 : memref<!tpu.dma_semaphore, #tpu.memory_space<semaphore_mem>>)
      %dma_wait3A_368 = arith.constant 0 : i32
      %dma_wait3A_369 = arith.constant 0 : i32
      %dma_wait3A_370 = arith.constant 0 : i32
      %dma_wait3A_371 = tpu.memref_slice %arg7[%dma_wait3A_369, %dma_wait3A_370] : memref<384x128xf32, #tpu.memory_space<vmem>> -> memref<128x128xf32, #tpu.memory_space<vmem>>
      %dma_wait3A_372 = arith.constant 0 : i32
      %dma_wait3A_373 = tpu.memref_slice %arg5[%dma_wait3A_368, %dma_wait3A_372] : memref<128x128xi32, #tpu.memory_space<vmem>> -> memref<1x128xi32, #tpu.memory_space<vmem>>
      %dma_wait3A_374 = tpu.memref_squeeze %dma_wait3A_373 : memref<1x128xi32, #tpu.memory_space<vmem>> -> memref<128xi32, #tpu.memory_space<vmem>>
      %dma_wait3A_375 = arith.constant 0 : i32
      %dma_wait3A_376 = arith.constant 0 : i32
      %dma_wait3A_377 = tpu.memref_slice %arg8[%dma_wait3A_375, %dma_wait3A_376] : memref<32x128xf32, #tpu.memory_space<vmem_shared>> -> memref<32x128xf32, #tpu.memory_space<vmem_shared>>
      tpu.wait_indirect_dma semaphore(%arg10 : memref<!tpu.dma_semaphore, #tpu.memory_space<semaphore_mem>>) src(%dma_wait3A_377 : memref<32x128xf32, #tpu.memory_space<vmem_shared>>) dst(%dma_wait3A_371 : memref<128x128xf32, #tpu.memory_space<vmem>>)
      %dma_wait3A_378 = arith.constant 0 : i32
      %dma_wait3A_379 = arith.constant 128 : i32
      %dma_wait3A_380 = arith.constant 0 : i32
      %dma_wait3A_381 = tpu.memref_slice %arg7[%dma_wait3A_379, %dma_wait3A_380] : memref<384x128xf32, #tpu.memory_space<vmem>> -> memref<128x128xf32, #tpu.memory_space<vmem>>
      %dma_wait3A_382 = arith.constant 0 : i32
      %dma_wait3A_383 = tpu.memref_slice %arg5[%dma_wait3A_378, %dma_wait3A_382] : memref<128x128xi32, #tpu.memory_space<vmem>> -> memref<1x128xi32, #tpu.memory_space<vmem>>
      %dma_wait3A_384 = tpu.memref_squeeze %dma_wait3A_383 : memref<1x128xi32, #tpu.memory_space<vmem>> -> memref<128xi32, #tpu.memory_space<vmem>>
      %dma_wait3A_385 = arith.constant 0 : i32
      %dma_wait3A_386 = arith.constant 0 : i32
      %dma_wait3A_387 = tpu.memref_slice %arg8[%dma_wait3A_385, %dma_wait3A_386] : memref<32x128xf32, #tpu.memory_space<vmem_shared>> -> memref<32x128xf32, #tpu.memory_space<vmem_shared>>
      tpu.wait_indirect_dma semaphore(%arg10 : memref<!tpu.dma_semaphore, #tpu.memory_space<semaphore_mem>>) src(%dma_wait3A_387 : memref<32x128xf32, #tpu.memory_space<vmem_shared>>) dst(%dma_wait3A_381 : memref<128x128xf32, #tpu.memory_space<vmem>>)
      %dma_wait3A_388 = arith.constant 0 : i32
      %dma_wait3A_389 = arith.constant 256 : i32
      %dma_wait3A_390 = arith.constant 0 : i32
      %dma_wait3A_391 = tpu.memref_slice %arg7[%dma_wait3A_389, %dma_wait3A_390] : memref<384x128xf32, #tpu.memory_space<vmem>> -> memref<128x128xf32, #tpu.memory_space<vmem>>
      %dma_wait3A_392 = arith.constant 0 : i32
      %dma_wait3A_393 = tpu.memref_slice %arg5[%dma_wait3A_388, %dma_wait3A_392] : memref<128x128xi32, #tpu.memory_space<vmem>> -> memref<1x128xi32, #tpu.memory_space<vmem>>
      %dma_wait3A_394 = tpu.memref_squeeze %dma_wait3A_393 : memref<1x128xi32, #tpu.memory_space<vmem>> -> memref<128xi32, #tpu.memory_space<vmem>>
      %dma_wait3A_395 = arith.constant 0 : i32
      %dma_wait3A_396 = arith.constant 0 : i32
      %dma_wait3A_397 = tpu.memref_slice %arg8[%dma_wait3A_395, %dma_wait3A_396] : memref<32x128xf32, #tpu.memory_space<vmem_shared>> -> memref<32x128xf32, #tpu.memory_space<vmem_shared>>
      tpu.wait_indirect_dma semaphore(%arg10 : memref<!tpu.dma_semaphore, #tpu.memory_space<semaphore_mem>>) src(%dma_wait3A_397 : memref<32x128xf32, #tpu.memory_space<vmem_shared>>) dst(%dma_wait3A_391 : memref<128x128xf32, #tpu.memory_space<vmem>>)
      %add3A_398 = arith.constant 3 : i32
      %add3A_399 = arith.addi %mul3A_273, %add3A_398 : i32
      %mul3A_400 = arith.constant 128 : i32
      %mul3A_401 = arith.muli %add3A_399, %mul3A_400 : i32
      %add3A_402 = arith.addi %mul3A_2, %mul3A_401 : i32
      %dma_start3A_403 = arith.constant 0 : i32
      %dma_start3A_404 = arith.constant 0 : i32
      %dma_start3A_405 = tpu.memref_slice %arg7[%dma_start3A_403, %dma_start3A_404] : memref<384x128xf32, #tpu.memory_space<vmem>> -> memref<384x128xf32, #tpu.memory_space<vmem>>
      %dma_start3A_406 = arith.constant 0 : i32
      %dma_start3A_407 = tpu.memref_slice %arg4[%add3A_402, %dma_start3A_406] : memref<524288x128xf32, #tpu.memory_space<hbm>> -> memref<384x128xf32, #tpu.memory_space<hbm>>
      %dma_start3A_408 = arith.constant 0 : i32
      %dma_start3A_409 = tpu.memref_slice %arg4[%add3A_402, %dma_start3A_408] : memref<524288x128xf32, #tpu.memory_space<hbm>> -> memref<384x128xf32, #tpu.memory_space<hbm>>
      %dma_start3A_410 = arith.constant 0 : i32
      %dma_start3A_411 = arith.constant 0 : i32
      %dma_start3A_412 = tpu.memref_slice %arg7[%dma_start3A_410, %dma_start3A_411] : memref<384x128xf32, #tpu.memory_space<vmem>> -> memref<384x128xf32, #tpu.memory_space<vmem>>
      tpu.enqueue_dma source(%dma_start3A_412 : memref<384x128xf32, #tpu.memory_space<vmem>>) target(%dma_start3A_409 : memref<384x128xf32, #tpu.memory_space<hbm>>) target_semaphore(%arg12 : memref<!tpu.dma_semaphore, #tpu.memory_space<semaphore_mem>>)
      %dma_wait3A_413 = arith.constant 0 : i32
      %dma_wait3A_414 = arith.constant 0 : i32
      %dma_wait3A_415 = tpu.memref_slice %arg6[%dma_wait3A_413, %dma_wait3A_414] : memref<384x128xf32, #tpu.memory_space<vmem>> -> memref<384x128xf32, #tpu.memory_space<vmem>>
      %dma_wait3A_416 = arith.constant 0 : i32
      %dma_wait3A_417 = tpu.memref_slice %arg4[%mul3A_2, %dma_wait3A_416] : memref<524288x128xf32, #tpu.memory_space<hbm>> -> memref<384x128xf32, #tpu.memory_space<hbm>>
      %dma_wait3A_418 = arith.constant 0 : i32
      %dma_wait3A_419 = tpu.memref_slice %arg4[%mul3A_2, %dma_wait3A_418] : memref<524288x128xf32, #tpu.memory_space<hbm>> -> memref<384x128xf32, #tpu.memory_space<hbm>>
      %dma_wait3A_420 = arith.constant 0 : i32
      %dma_wait3A_421 = arith.constant 0 : i32
      %dma_wait3A_422 = tpu.memref_slice %arg6[%dma_wait3A_420, %dma_wait3A_421] : memref<384x128xf32, #tpu.memory_space<vmem>> -> memref<384x128xf32, #tpu.memory_space<vmem>>
      tpu.wait_dma2 semaphore(%arg11 : memref<!tpu.dma_semaphore, #tpu.memory_space<semaphore_mem>>) src(%dma_wait3A_422 : memref<384x128xf32, #tpu.memory_space<vmem>>) dst(%dma_wait3A_419 : memref<384x128xf32, #tpu.memory_space<hbm>>)
      %add3A_423 = arith.constant 6 : i32
      %add3A_424 = arith.addi %mul3A_273, %add3A_423 : i32
      %add3A_425 = arith.constant 0 : i32
      %add3A_426 = arith.addi %add3A_424, %add3A_425 : i32
      %min3A_427 = arith.constant 127 : i32
      %min3A_428 = arith.minsi %add3A_426, %min3A_427 : i32
      %dma_start3A_429 = arith.constant 0 : i32
      %dma_start3A_430 = arith.constant 0 : i32
      %dma_start3A_431 = tpu.memref_slice %arg6[%dma_start3A_429, %dma_start3A_430] : memref<384x128xf32, #tpu.memory_space<vmem>> -> memref<128x128xf32, #tpu.memory_space<vmem>>
      %dma_start3A_432 = arith.constant 0 : i32
      %dma_start3A_433 = tpu.memref_slice %arg5[%min3A_428, %dma_start3A_432] : memref<128x128xi32, #tpu.memory_space<vmem>> -> memref<1x128xi32, #tpu.memory_space<vmem>>
      %dma_start3A_434 = tpu.memref_squeeze %dma_start3A_433 : memref<1x128xi32, #tpu.memory_space<vmem>> -> memref<128xi32, #tpu.memory_space<vmem>>
      %dma_start3A_435 = arith.constant 0 : i32
      %dma_start3A_436 = arith.constant 0 : i32
      %dma_start3A_437 = tpu.memref_slice %arg8[%dma_start3A_435, %dma_start3A_436] : memref<32x128xf32, #tpu.memory_space<vmem_shared>> -> memref<32x128xf32, #tpu.memory_space<vmem_shared>>
      tpu.enqueue_indirect_dma source(%dma_start3A_437 : memref<32x128xf32, #tpu.memory_space<vmem_shared>>) target(%dma_start3A_431 : memref<128x128xf32, #tpu.memory_space<vmem>>) offsets(%dma_start3A_434 : memref<128xi32, #tpu.memory_space<vmem>>) semaphore(%arg9 : memref<!tpu.dma_semaphore, #tpu.memory_space<semaphore_mem>>)
      %add3A_438 = arith.constant 1 : i32
      %add3A_439 = arith.addi %add3A_424, %add3A_438 : i32
      %min3A_440 = arith.constant 127 : i32
      %min3A_441 = arith.minsi %add3A_439, %min3A_440 : i32
      %dma_start3A_442 = arith.constant 128 : i32
      %dma_start3A_443 = arith.constant 0 : i32
      %dma_start3A_444 = tpu.memref_slice %arg6[%dma_start3A_442, %dma_start3A_443] : memref<384x128xf32, #tpu.memory_space<vmem>> -> memref<128x128xf32, #tpu.memory_space<vmem>>
      %dma_start3A_445 = arith.constant 0 : i32
      %dma_start3A_446 = tpu.memref_slice %arg5[%min3A_441, %dma_start3A_445] : memref<128x128xi32, #tpu.memory_space<vmem>> -> memref<1x128xi32, #tpu.memory_space<vmem>>
      %dma_start3A_447 = tpu.memref_squeeze %dma_start3A_446 : memref<1x128xi32, #tpu.memory_space<vmem>> -> memref<128xi32, #tpu.memory_space<vmem>>
      %dma_start3A_448 = arith.constant 0 : i32
      %dma_start3A_449 = arith.constant 0 : i32
      %dma_start3A_450 = tpu.memref_slice %arg8[%dma_start3A_448, %dma_start3A_449] : memref<32x128xf32, #tpu.memory_space<vmem_shared>> -> memref<32x128xf32, #tpu.memory_space<vmem_shared>>
      tpu.enqueue_indirect_dma source(%dma_start3A_450 : memref<32x128xf32, #tpu.memory_space<vmem_shared>>) target(%dma_start3A_444 : memref<128x128xf32, #tpu.memory_space<vmem>>) offsets(%dma_start3A_447 : memref<128xi32, #tpu.memory_space<vmem>>) semaphore(%arg9 : memref<!tpu.dma_semaphore, #tpu.memory_space<semaphore_mem>>)
      %add3A_451 = arith.constant 2 : i32
      %add3A_452 = arith.addi %add3A_424, %add3A_451 : i32
      %min3A_453 = arith.constant 127 : i32
      %min3A_454 = arith.minsi %add3A_452, %min3A_453 : i32
      %dma_start3A_455 = arith.constant 256 : i32
      %dma_start3A_456 = arith.constant 0 : i32
      %dma_start3A_457 = tpu.memref_slice %arg6[%dma_start3A_455, %dma_start3A_456] : memref<384x128xf32, #tpu.memory_space<vmem>> -> memref<128x128xf32, #tpu.memory_space<vmem>>
      %dma_start3A_458 = arith.constant 0 : i32
      %dma_start3A_459 = tpu.memref_slice %arg5[%min3A_454, %dma_start3A_458] : memref<128x128xi32, #tpu.memory_space<vmem>> -> memref<1x128xi32, #tpu.memory_space<vmem>>
      %dma_start3A_460 = tpu.memref_squeeze %dma_start3A_459 : memref<1x128xi32, #tpu.memory_space<vmem>> -> memref<128xi32, #tpu.memory_space<vmem>>
      %dma_start3A_461 = arith.constant 0 : i32
      %dma_start3A_462 = arith.constant 0 : i32
      %dma_start3A_463 = tpu.memref_slice %arg8[%dma_start3A_461, %dma_start3A_462] : memref<32x128xf32, #tpu.memory_space<vmem_shared>> -> memref<32x128xf32, #tpu.memory_space<vmem_shared>>
      tpu.enqueue_indirect_dma source(%dma_start3A_463 : memref<32x128xf32, #tpu.memory_space<vmem_shared>>) target(%dma_start3A_457 : memref<128x128xf32, #tpu.memory_space<vmem>>) offsets(%dma_start3A_460 : memref<128xi32, #tpu.memory_space<vmem>>) semaphore(%arg9 : memref<!tpu.dma_semaphore, #tpu.memory_space<semaphore_mem>>)
    }
    %scan3A_208 = arith.constant 20 : i32
    %dma_wait3A_209 = arith.constant 0 : i32
    %dma_wait3A_210 = arith.constant 0 : i32
    %dma_wait3A_211 = arith.constant 0 : i32
    %dma_wait3A_212 = tpu.memref_slice %arg6[%dma_wait3A_210, %dma_wait3A_211] : memref<384x128xf32, #tpu.memory_space<vmem>> -> memref<128x128xf32, #tpu.memory_space<vmem>>
    %dma_wait3A_213 = arith.constant 0 : i32
    %dma_wait3A_214 = tpu.memref_slice %arg5[%dma_wait3A_209, %dma_wait3A_213] : memref<128x128xi32, #tpu.memory_space<vmem>> -> memref<1x128xi32, #tpu.memory_space<vmem>>
    %dma_wait3A_215 = tpu.memref_squeeze %dma_wait3A_214 : memref<1x128xi32, #tpu.memory_space<vmem>> -> memref<128xi32, #tpu.memory_space<vmem>>
    %dma_wait3A_216 = arith.constant 0 : i32
    %dma_wait3A_217 = arith.constant 0 : i32
    %dma_wait3A_218 = tpu.memref_slice %arg8[%dma_wait3A_216, %dma_wait3A_217] : memref<32x128xf32, #tpu.memory_space<vmem_shared>> -> memref<32x128xf32, #tpu.memory_space<vmem_shared>>
    tpu.wait_indirect_dma semaphore(%arg9 : memref<!tpu.dma_semaphore, #tpu.memory_space<semaphore_mem>>) src(%dma_wait3A_218 : memref<32x128xf32, #tpu.memory_space<vmem_shared>>) dst(%dma_wait3A_212 : memref<128x128xf32, #tpu.memory_space<vmem>>)
    %dma_wait3A_219 = arith.constant 0 : i32
    %dma_wait3A_220 = arith.constant 128 : i32
    %dma_wait3A_221 = arith.constant 0 : i32
    %dma_wait3A_222 = tpu.memref_slice %arg6[%dma_wait3A_220, %dma_wait3A_221] : memref<384x128xf32, #tpu.memory_space<vmem>> -> memref<128x128xf32, #tpu.memory_space<vmem>>
    %dma_wait3A_223 = arith.constant 0 : i32
    %dma_wait3A_224 = tpu.memref_slice %arg5[%dma_wait3A_219, %dma_wait3A_223] : memref<128x128xi32, #tpu.memory_space<vmem>> -> memref<1x128xi32, #tpu.memory_space<vmem>>
    %dma_wait3A_225 = tpu.memref_squeeze %dma_wait3A_224 : memref<1x128xi32, #tpu.memory_space<vmem>> -> memref<128xi32, #tpu.memory_space<vmem>>
    %dma_wait3A_226 = arith.constant 0 : i32
    %dma_wait3A_227 = arith.constant 0 : i32
    %dma_wait3A_228 = tpu.memref_slice %arg8[%dma_wait3A_226, %dma_wait3A_227] : memref<32x128xf32, #tpu.memory_space<vmem_shared>> -> memref<32x128xf32, #tpu.memory_space<vmem_shared>>
    tpu.wait_indirect_dma semaphore(%arg9 : memref<!tpu.dma_semaphore, #tpu.memory_space<semaphore_mem>>) src(%dma_wait3A_228 : memref<32x128xf32, #tpu.memory_space<vmem_shared>>) dst(%dma_wait3A_222 : memref<128x128xf32, #tpu.memory_space<vmem>>)
    %dma_wait3A_229 = arith.constant 0 : i32
    %dma_wait3A_230 = arith.constant 256 : i32
    %dma_wait3A_231 = arith.constant 0 : i32
    %dma_wait3A_232 = tpu.memref_slice %arg6[%dma_wait3A_230, %dma_wait3A_231] : memref<384x128xf32, #tpu.memory_space<vmem>> -> memref<128x128xf32, #tpu.memory_space<vmem>>
    %dma_wait3A_233 = arith.constant 0 : i32
    %dma_wait3A_234 = tpu.memref_slice %arg5[%dma_wait3A_229, %dma_wait3A_233] : memref<128x128xi32, #tpu.memory_space<vmem>> -> memref<1x128xi32, #tpu.memory_space<vmem>>
    %dma_wait3A_235 = tpu.memref_squeeze %dma_wait3A_234 : memref<1x128xi32, #tpu.memory_space<vmem>> -> memref<128xi32, #tpu.memory_space<vmem>>
    %dma_wait3A_236 = arith.constant 0 : i32
    %dma_wait3A_237 = arith.constant 0 : i32
    %dma_wait3A_238 = tpu.memref_slice %arg8[%dma_wait3A_236, %dma_wait3A_237] : memref<32x128xf32, #tpu.memory_space<vmem_shared>> -> memref<32x128xf32, #tpu.memory_space<vmem_shared>>
    tpu.wait_indirect_dma semaphore(%arg9 : memref<!tpu.dma_semaphore, #tpu.memory_space<semaphore_mem>>) src(%dma_wait3A_238 : memref<32x128xf32, #tpu.memory_space<vmem_shared>>) dst(%dma_wait3A_232 : memref<128x128xf32, #tpu.memory_space<vmem>>)
    %add3A_239 = arith.constant 16128 : i32
    %add3A_240 = arith.addi %mul3A_2, %add3A_239 : i32
    %dma_start3A_241 = arith.constant 0 : i32
    %dma_start3A_242 = arith.constant 0 : i32
    %dma_start3A_243 = tpu.memref_slice %arg6[%dma_start3A_241, %dma_start3A_242] : memref<384x128xf32, #tpu.memory_space<vmem>> -> memref<256x128xf32, #tpu.memory_space<vmem>>
    %dma_start3A_244 = arith.constant 0 : i32
    %dma_start3A_245 = tpu.memref_slice %arg4[%add3A_240, %dma_start3A_244] : memref<524288x128xf32, #tpu.memory_space<hbm>> -> memref<256x128xf32, #tpu.memory_space<hbm>>
    %dma_start3A_246 = arith.constant 0 : i32
    %dma_start3A_247 = tpu.memref_slice %arg4[%add3A_240, %dma_start3A_246] : memref<524288x128xf32, #tpu.memory_space<hbm>> -> memref<256x128xf32, #tpu.memory_space<hbm>>
    %dma_start3A_248 = arith.constant 0 : i32
    %dma_start3A_249 = arith.constant 0 : i32
    %dma_start3A_250 = tpu.memref_slice %arg6[%dma_start3A_248, %dma_start3A_249] : memref<384x128xf32, #tpu.memory_space<vmem>> -> memref<256x128xf32, #tpu.memory_space<vmem>>
    tpu.enqueue_dma source(%dma_start3A_250 : memref<256x128xf32, #tpu.memory_space<vmem>>) target(%dma_start3A_247 : memref<256x128xf32, #tpu.memory_space<hbm>>) target_semaphore(%arg11 : memref<!tpu.dma_semaphore, #tpu.memory_space<semaphore_mem>>)
    %dma_wait3A_251 = arith.constant 0 : i32
    %dma_wait3A_252 = arith.constant 0 : i32
    %dma_wait3A_253 = tpu.memref_slice %arg7[%dma_wait3A_251, %dma_wait3A_252] : memref<384x128xf32, #tpu.memory_space<vmem>> -> memref<384x128xf32, #tpu.memory_space<vmem>>
    %dma_wait3A_254 = arith.constant 0 : i32
    %dma_wait3A_255 = tpu.memref_slice %arg4[%mul3A_2, %dma_wait3A_254] : memref<524288x128xf32, #tpu.memory_space<hbm>> -> memref<384x128xf32, #tpu.memory_space<hbm>>
    %dma_wait3A_256 = arith.constant 0 : i32
    %dma_wait3A_257 = tpu.memref_slice %arg4[%mul3A_2, %dma_wait3A_256] : memref<524288x128xf32, #tpu.memory_space<hbm>> -> memref<384x128xf32, #tpu.memory_space<hbm>>
    %dma_wait3A_258 = arith.constant 0 : i32
    %dma_wait3A_259 = arith.constant 0 : i32
    %dma_wait3A_260 = tpu.memref_slice %arg7[%dma_wait3A_258, %dma_wait3A_259] : memref<384x128xf32, #tpu.memory_space<vmem>> -> memref<384x128xf32, #tpu.memory_space<vmem>>
    tpu.wait_dma2 semaphore(%arg12 : memref<!tpu.dma_semaphore, #tpu.memory_space<semaphore_mem>>) src(%dma_wait3A_260 : memref<384x128xf32, #tpu.memory_space<vmem>>) dst(%dma_wait3A_257 : memref<384x128xf32, #tpu.memory_space<hbm>>)
    %dma_wait3A_261 = arith.constant 0 : i32
    %dma_wait3A_262 = arith.constant 0 : i32
    %dma_wait3A_263 = tpu.memref_slice %arg6[%dma_wait3A_261, %dma_wait3A_262] : memref<384x128xf32, #tpu.memory_space<vmem>> -> memref<256x128xf32, #tpu.memory_space<vmem>>
    %dma_wait3A_264 = arith.constant 0 : i32
    %dma_wait3A_265 = tpu.memref_slice %arg4[%mul3A_2, %dma_wait3A_264] : memref<524288x128xf32, #tpu.memory_space<hbm>> -> memref<256x128xf32, #tpu.memory_space<hbm>>
    %dma_wait3A_266 = arith.constant 0 : i32
    %dma_wait3A_267 = tpu.memref_slice %arg4[%mul3A_2, %dma_wait3A_266] : memref<524288x128xf32, #tpu.memory_space<hbm>> -> memref<256x128xf32, #tpu.memory_space<hbm>>
    %dma_wait3A_268 = arith.constant 0 : i32
    %dma_wait3A_269 = arith.constant 0 : i32
    %dma_wait3A_270 = tpu.memref_slice %arg6[%dma_wait3A_268, %dma_wait3A_269] : memref<384x128xf32, #tpu.memory_space<vmem>> -> memref<256x128xf32, #tpu.memory_space<vmem>>
    tpu.wait_dma2 semaphore(%arg11 : memref<!tpu.dma_semaphore, #tpu.memory_space<semaphore_mem>>) src(%dma_wait3A_270 : memref<256x128xf32, #tpu.memory_space<vmem>>) dst(%dma_wait3A_267 : memref<256x128xf32, #tpu.memory_space<hbm>>)
    return
  }
}

</mosaic_0001>

<sc_bundles>
// kernel: kernel.3.cloned.1.call-start
scs
__scs_entry_jumppad:
0x0: {  	(pc) =	sbr.rel $0x88, $3  }
0x1: {  	(tag) =	ssettag $0x0;
	lr =	simm.s32 $0x1  }
0x2: {  	[smem:$0x3F9F] =	sst lr;
	_ =	strace $0xD0000000  }
0x3: {  	_ = 	snop  }
0x4: {  	_ = 	snop  }
0x5: {  	_ = 	snop  }
0x6: {  	_ = 	snop  }
0x7: {  	_ = 	snop  }
__scs_overlays_trampoline_lowered:
0x8: {  	[smem:$0x3FAE] =	sst s0  }
0x9: {  	[smem:$0x3FAF] =	sst s1  }
0xa: {  	[smem:$0x3FB0] =	sst s2  }
0xb: {  	[smem:$0x3FB1] =	sst s3  }
0xc: {  	[smem:$0x3FB2] =	sst s4  }
0xd: {  	[smem:$0x3FB3] =	sst s5  }
0xe: {  	[smem:$0x3FB4] =	sst s6  }
0xf: {  	[smem:$0x3FB5] =	sst s7  }
0x10: {  	[smem:$0x3FB6] =	sst s8  }
0x11: {  	[smem:$0x3FB7] =	sst s9;
	s0 =	simm.s32 @!p0 $0x0  }
0x12: {  	s1 =	sld [smem:$0x3F9D];
	s0 =	simm.s32 @p0 $0x1  }
0x13: {  	[smem:$0x3FB8] =	sst s0;
	s0 =	simm.s32 @!p1 $0x0  }
0x14: {  	s2 =	sld [smem:$0x3F9C];
	s0 =	simm.s32 @p1 $0x1  }
0x15: {  	[smem:$0x3FB9] =	sst s0;
	s0 =	simm.s32 @!p2 $0x0  }
0x16: {  	s3 =	sld [smem:$0x3FDB];
	s0 =	simm.s32 @p2 $0x1  }
0x17: {  	s4 =	simm.s32 $0x1BF5;
	[smem:$0x3FBB] =	sst s0  }
0x18: {  	s0 =	sld [smem:$0x3F9E];
	_ =	swait.ge [sflag:s4], $0x0  }
0x19: {  	s7 =	sld [smem:$0x3F9F]  }
0x1a: {  	s8 =	sadd.s32 $0xFFFFE003, lr  }
0x1b: {  	s9 =	sadd.s32 $0xFFFFFEF7, lr;
	s5 =	simm.s32 $0xFFFFFFFF;
	p2 =	slt.u32 s8, $0xFFFFF086  }
0x1c: {  	p1 =	slt.u32 s9, $0xF7A;
	s5 =	simm.s32 @!p2 $0x0  }
0x1d: {  	s5 =	simm.s32 @p1 $0x1;
	p0 =	seq.s32 s7, s2  }
0x1e: {  	s7 =	smul.u32 @!p0 $0xF7A, s2;
	p2 =	seq.s32 @!p0 s5, $0x0  }
0x1f: {  	s9 =	smul.u32 $0xF7A, s1;
	s8 =	simm.s32 @!p0 $0x1BF5;
	p2 =	por !p2, p0  }
0x20: {  	[sflag:s8] =	ssyncset.s32 @!p0 $0xFFFFF086;
	s6 =	sadd.s32 @!p0 s3, s7;
	s7 =	simm.s32 @!p0 $0x108  }
0x21: {  	s3 =	sadd.s32 s3, s9;
	s6 =	sadd.s32 @!p0 $0x88, s6;
	s7 =	simm.s32 @p2 $0x1082  }
0x22: {  	[simem:s7], [sflag:s8] =	dma.local @!p0 [hbm:s6], $0xF7A  }
0x23: {  	s9 =	sor.u32 $0xD0000000, s2;
	s6 =	simm.s32 $0x108;
	_ =	swait.ge @!p0 [sflag:s8], $0x0  }
0x24: {  	s3 =	sadd.s32 $0x88, s3;
	s6 =	simm.s32 @!p1 $0x1082;
	[sflag:s4] =	ssyncset.s32 $0xFFFFF086  }
0x25: {  	[simem:s6], [sflag:s4] =	dma.local [hbm:s3], $0xF7A  }
0x26: {  	[smem:$0x3F9F] =	sst s1;
	(tag) =	ssettag s2;
	_ =	strace s9  }
0x27: {  	s1 =	sld [smem:$0x3FAF]  }
0x28: {  	s2 =	sld [smem:$0x3FB0]  }
0x29: {  	s4 =	sld [smem:$0x3FB2]  }
0x2a: {  	p0 =	seq.s32 s5, $0x0;
	s5 =	sld [smem:$0x3FB3]  }
0x2b: {  	s6 =	sld [smem:$0x3FB4]  }
0x2c: {  	s7 =	sld [smem:$0x3FB5]  }
0x2d: {  	s3 =	simm.s32 $0x108;
	s8 =	sld [smem:$0x3FB6]  }
0x2e: {  	s3 =	simm.s32 @!p0 $0x1082;
	s9 =	sld [smem:$0x3FB7]  }
0x2f: {  	lr =	sadd.s32 s0, s3;
	s0 =	sld [smem:$0x3FAE]  }
0x30: {  	s3 =	sld [smem:$0x3FB1]  }
0x31: {  	[smem:$0x3FBA] =	sst s10  }
0x32: {  	s10 =	sld [smem:$0x3FB8];
	_ =	sdelay $0x3  }
0x33: {  	p0 =	seq.s32 s10, $0x1;
	s10 =	sld [smem:$0x3FBA];
	_ =	sdelay $0x3  }
0x34: {  	[smem:$0x3FBA] =	sst s10  }
0x35: {  	s10 =	sld [smem:$0x3FB9];
	_ =	sdelay $0x3  }
0x36: {  	p1 =	seq.s32 s10, $0x1;
	s10 =	sld [smem:$0x3FBA];
	_ =	sdelay $0x3  }
0x37: {  	[smem:$0x3FBA] =	sst s10  }
0x38: {  	s10 =	sld [smem:$0x3FBB]  }
0x39: {  	_ = 	snop;
	(pc) =	sbr.ind lr, $3  }
0x3a: {  	_ = 	snop  }
0x3b: {  	_ = 	snop  }
0x3c: {  	p2 =	seq.s32 s10, $0x1;
	s10 =	sld [smem:$0x3FBA]  }
0x3d: {  	_ =	shalt  }
0x3e: {  	_ =	shalt  }
0x3f: {  	_ =	shalt  }
0x40: {  	_ =	shalt  }
0x41: {  	_ =	shalt  }
0x42: {  	_ =	shalt  }
0x43: {  	_ =	shalt  }
0x44: {  	_ =	shalt  }
0x45: {  	_ =	shalt  }
0x46: {  	_ =	shalt  }
0x47: {  	_ =	shalt  }
0x48: {  	_ =	shalt  }
0x49: {  	_ =	shalt  }
0x4a: {  	_ =	shalt  }
0x4b: {  	_ =	shalt  }
0x4c: {  	_ =	shalt  }
0x4d: {  	_ =	shalt  }
0x4e: {  	_ =	shalt  }
0x4f: {  	_ =	shalt  }
0x50: {  	_ =	shalt  }
0x51: {  	_ =	shalt  }
0x52: {  	_ =	shalt  }
0x53: {  	_ =	shalt  }
0x54: {  	_ =	shalt  }
0x55: {  	_ =	shalt  }
0x56: {  	_ =	shalt  }
0x57: {  	_ =	shalt  }
0x58: {  	_ =	shalt  }
0x59: {  	_ =	shalt  }
0x5a: {  	_ =	shalt  }
0x5b: {  	_ =	shalt  }
0x5c: {  	_ =	shalt  }
0x5d: {  	_ =	shalt  }
0x5e: {  	_ =	shalt  }
0x5f: {  	_ =	shalt  }
0x60: {  	_ =	shalt  }
0x61: {  	_ =	shalt  }
0x62: {  	_ =	shalt  }
0x63: {  	_ =	shalt  }
0x64: {  	_ =	shalt  }
0x65: {  	_ =	shalt  }
0x66: {  	_ =	shalt  }
0x67: {  	_ =	shalt  }
0x68: {  	_ =	shalt  }
0x69: {  	_ =	shalt  }
0x6a: {  	_ =	shalt  }
0x6b: {  	_ =	shalt  }
0x6c: {  	_ =	shalt  }
0x6d: {  	_ =	shalt  }
0x6e: {  	_ =	shalt  }
0x6f: {  	_ =	shalt  }
0x70: {  	_ =	shalt  }
0x71: {  	_ =	shalt  }
0x72: {  	_ =	shalt  }
0x73: {  	_ =	shalt  }
0x74: {  	_ =	shalt  }
0x75: {  	_ =	shalt  }
0x76: {  	_ =	shalt  }
0x77: {  	_ =	shalt  }
0x78: {  	_ =	shalt  }
0x79: {  	_ =	shalt  }
0x7a: {  	_ =	shalt  }
0x7b: {  	_ =	shalt  }
0x7c: {  	_ =	shalt  }
0x7d: {  	_ =	shalt  }
0x7e: {  	_ =	shalt  }
0x7f: {  	_ =	shalt  }
0x80: {  	_ =	shalt  }
0x81: {  	_ =	shalt  }
0x82: {  	_ =	shalt  }
0x83: {  	_ =	shalt  }
0x84: {  	_ =	shalt  }
0x85: {  	_ =	shalt  }
0x86: {  	_ =	shalt  }
0x87: {  	_ =	shalt  }
.Lfunc_end0:
.L_simem_size_0:
called_computation_lowered:
.L_overlay_start_0:
0x88: {  	s2 =	sld [smem:$0x3FD9]  }
0x89: {  	s3 =	sld [smem:$0x3FFE];
	_ =	sdelay $0x1  }
0x8a: {  	s1 =	srdreg.scid  }
0x8b: {  	s0 =	sand.u32 $0x1, s1  }
0x8c: {  	s17 =	sshll.u32 s0, $0xA;
	s2 =	sadd.s32 s3, s2  }
0x8d: {  	s2 =	sadd.s32 s2, s17  }
0x8e: {  	[smem:$0x3FC6] =	sst s2  }
0x8f: {  	_ = 	snop  }
0x90: {  	s2 =	sld [smem:$0x3FC8]  }
0x91: {  	s18 =	sld [smem:$0x3FD0];
	(tm) =	ssettm $0x1  }
0x92: {  	s4 =	sld [smem:$0x3FFB];
	_ =	sdelay $0x3  }
0x93: {  	_ =	strace s4  }
0x94: {  	s4 =	sld [smem:$0x3FFC];
	_ =	sdelay $0x3  }
0x95: {  	_ =	strace s4  }
0x96: {  	s4 =	sld [smem:$0x3FFD];
	_ =	sdelay $0x3  }
0x97: {  	_ =	strace s4  }
0x98: {  	_ =	strace $0x8FFFFFFF  }
0x99: {  	s19 =	sld [smem:$0x3FDB];
	_ =	sdelay $0x1  }
0x9a: {  	s5 =	simm.s32 $_scs_section_size  }
0x9b: {  	s6 =	simm.s32 $_size__tile_overlayer_lowered;
	s7 =	simm.s32 $_tile_overlayer_lowered  }
0x9c: {  	s22 =	simm.s32 $0x1BFF;
	s21 =	sshll.u32 s7, $0x1;
	s4 =	sadd.s32 s5, s19  }
0x9d: {  	s8 =	simm.s32 $0x0;
	s20 =	sshll.u32 s6, $0x1;
	s6 =	sadd.s32 s21, s4  }
0x9e: {  	[timem:s8], [sflag:s22] =	dma.local [hbm:s6], s20  }
0x9f: {  	_ =	swait.ge [sflag:s22], s20  }
0xa0: {  	s5 =	ssub.s32 $0x0, s20;
	[sflag:s22] =	ssyncset.done $0x0  }
0xa1: {  	[sflag:s22] =	ssyncadd.s32 s5;
	_ =	sdelay $0x1  }
0xa2: {  	s23 =	simm.s32 $0x1B8B  }
0xa3: {  	_ =	swait.ge [sflag:s23], $0x1  }
0xa4: {  	[sflag:s23] =	ssyncset.done $0x0  }
0xa5: {  	s25 =	simm.s32 $0x1B8E;
	s24 =	sld [smem:$0x3FFE];
	[sflag:s23] =	ssyncadd.s32 $0xFFFFFFFF  }
0xa6: {  	s26 =	simm.s32 $execute0_lowered;
	[smem:$0x3FD2] =	sst s25  }
0xa7: {  	s6 =	sshll.u32 s26, $0x1;
	_ =	strace $0x80000046;
	[dreg:$0x1] =	wrdreg $0xFFFFFFFF  }
0xa8: {  	s28 =	simm.s32 $_size_execute0_lowered;
	s4 =	sadd.s32 s4, s6;
	[dreg:$0x0] =	wrdreg $0x0  }
0xa9: {  	s6 =	sshll.u32 s28, $0x1;
	[dreg:$0x2] =	wrdreg s4  }
0xaa: {  	[dreg:$0x3] =	wrdreg s6  }
0xab: {  	[dreg:$0x4] =	wrdreg $0xC0  }
0xac: {  	_ =	task [dreg:s8], $0x5FFFF  }
0xad: {  	[dreg:$0x1] =	wrdreg $0xFFFFFFFF  }
0xae: {  	[dreg:$0x0] =	wrdreg $0x60  }
0xaf: {  	[dreg:$0x2] =	wrdreg s24  }
0xb0: {  	[dreg:$0x3] =	wrdreg s2  }
0xb1: {  	[dreg:$0x4] =	wrdreg s18  }
0xb2: {  	[dreg:$0x5] =	wrdreg $0x1C0000  }
0xb3: {  	[dreg:$0x6] =	wrdreg $0x9  }
0xb4: {  	_ =	task.clear_ibuf [dreg:s8], $0x7FFFF;
	_ =	strace $0x90000046  }
0xb5: {  	s29 =	simm.s32 $0x9;
	_ =	strace $0x80000048  }
0xb6: {  	_ =	swait.ge [sflag:s29], $0x1  }
0xb7: {  	[sflag:s29] =	ssyncadd.s32 $0xFFFFFFFF  }
0xb8: {  	_ =	strace $0x90000048  }
0xb9: {  	_ =	sfence  }
0xba: {  	s30 =	sld [smem:$0x0];
	_ =	sdelay $0x2  }
0xbb: {  	s31 =	sshll.u32 s1, $0xD;
	s1 =	sshrl.u32 s1, $0x2  }
0xbc: {  	s3 =	sand.u32 $0x4000, s31;
	s1 =	sadd.s32 s1, s30  }
0xbd: {  	s0 =	sor.u32 s3, s0;
	s1 =	sshll.u32 s1, $0x11  }
0xbe: {  	s0 =	sor.u32 s1, s0  }
0xbf: {  	s0 =	sadd.s32 $0x8F2B, s0  }
0xc0: {  	[sflag:s0] =	ssyncadd.remote.s32 $0x1  }
0xc1: {  	_ =	sfence.sel $0xFFFF  }
0xc2: {  	[dreg:$0x0] =	wrdreg $0xFFFFFFFF;
	(pc) =	sbr.abs _section_cstart, $3  }
0xc3: {  	[dreg:$0x1] =	wrdreg $0xFFFFFFFF  }
0xc4: {  	_ =	task.clear_ibuf [dreg:s8], $0x2FFFF;
	_ =	strace $0x9FFFFFFF  }
0xc5: {  	(tm) =	ssettm $0x7FFFFFFF  }
tec
execute0_lowered:
.L_overlay_start_1:
0x0: {  	(tag) =	ssettag $0x1  }
0x1: {  	s0 =	rddreg [dreg:$0x0]  }
0x2: {  	s1 =	rddreg [dreg:$0x2]  }
0x3: {  	s2 =	rddreg [dreg:$0x3]  }
0x4: {  	s4 =	srdreg.scid;
	s3 =	simm.s32 $0x0;
	s11 =	stileid.u32  }
0x5: {  	s13 =	simm.s32 $0x5;
	s14 =	simm.s32 $0x80;
	s15 =	simm.s32 $0x4000  }
0x6: {  	s16 =	simm.s32 $0x8000;
	s18 =	simm.s32 $0xC000;
	s19 =	simm.s32 $0x1  }
0x7: {  	s21 =	simm.s32 $0x10000;
	s23 =	simm.s32 $0x14000;
	s28 =	simm.s32 $0x3  }
0x8: {  	s20 =	simm.s32 $0x3E80;
	s22 =	simm.s32 $0x3F00;
	s24 =	simm.s32 $0x3F80  }
0x9: {  	s29 =	simm.s32 $0x0;
	s10 =	sand.u32 $0x1, s4;
	[smem:$0x7FF] =	sst s3  }
0xa: {  	s25 =	sshll.u32 s11, $0xF;
	s30 =	sshll.u32 s11, $0x13;
	p0 =	sne.s32 s11, $0x0  }
0xb: {  	s5 =	sshll.u32 s10, $0xE;
	_ =	strace $0x80000047;
	s6 =	ssub.s32 $0x2, s10  }
0xc: {  	s31 =	sshll.u32 s10, $0x12;
	s12 =	sshrl.u32 @!p0 s2, $0x3;
	s4 =	sor.u32 s5, s25  }
0xd: {  	s26 =	sshrl.u32 s6, $0x1;
	s25 =	simm.s32 $0x18000;
	s5 =	sshrl.u32 s4, $0x3  }
0xe: {  	s4 =	sshll.u32 s4, $0x4;
	s8 =	ssub.s32 s6, s26;
	s26 =	simm.s32 $0x2  }
0xf: {  	s0 =	sadd.s32 s5, s0;
	s4 =	sadd.s32 s1, s4;
	s8 =	smax.u32 s8, $0x1  }
0x10: {  	s5 =	sadd.s32 $0x400, s0;
	s6 =	sadd.s32 $0x1800, s4;
	s0 =	sadd.s32 s30, s1  }
0x11: {  	s7 =	sadd.s32 $0x3F000, s4;
	s9 =	sadd.s32 $0x3C000, s4;
	s0 =	sadd.s32 s31, s0  }
0x12: {  	s10 =	sadd.s32 $0x3D800, s4;
	s11 =	sadd.s32 $0x3000, s0;
	s0 =	simm.s32 $0x4  }
.LBB2_1:
0x13: {  	s1 =	simm.s32 @!p0 $0x1C05;
	s17 =	rddreg [dreg:$0x1]  }
0x14: {  	[spmem:s12], [sflag:s1] =	dma.local @!p0 [hbm:s17], $0x200  }
0x15: {  	s1 =	simm.s32 @!p0 $0x5  }
0x16: {  	_ =	swait.ge @!p0 [sflag:s1], $0x200  }
0x17: {  	[sflag:s1] =	ssyncset.done @!p0 $0x0  }
0x18: {  	[sflag:s1] =	ssyncadd.s32 @!p0 $0xFFFFFE00  }
0x19: {  	[tilespmem:s3], [sflag:$0x5] =	stream.linear.gather [hbm4b:s5+s3], $0x4000, $0x38;
	[tilespmem:$0x1C100] =	vst v63  }
0x1a: {  	_ =	swait.ge [sflag:s13], $0x4000  }
0x1b: {  	[sflag:s13] =	ssyncset.done $0x0  }
0x1c: {  	[sflag:s13] =	ssyncadd.s32 $0xFFFFC000  }
0x1d: {  	[bflag:$0x0] =	sbarrier.arrive $0xFFFF  }
0x1e: {  	[tilespmem:s15], [sflag:$0x1] =	stream.indirect.gather [spmem:s2], $0x80, s3, s14, $0xb8;
	[tilespmem:$0x1C100] =	vst v63  }
0x1f: {  	_ = 	snop  }
0x20: {  	[tilespmem:s16], [sflag:$0x1] =	stream.indirect.gather [spmem:s2], $0x80, s14, s14, $0xb8;
	[tilespmem:$0x1C100] =	vst v63  }
0x21: {  	s17 =	simm.s32 $0x100  }
0x22: {  	[tilespmem:s18], [sflag:$0x1] =	stream.indirect.gather [spmem:s2], $0x80, s17, s14, $0xb8;
	[tilespmem:$0x1C100] =	vst v63  }
0x23: {  	_ =	swait.ge [sflag:s19], $0x4000  }
0x24: {  	[sflag:s19] =	ssyncset.done $0x0  }
0x25: {  	[sflag:s19] =	ssyncadd.s32 $0xFFFFC000  }
0x26: {  	_ =	swait.ge [sflag:s19], $0x4000  }
0x27: {  	[sflag:s19] =	ssyncset.done $0x0  }
0x28: {  	[sflag:s19] =	ssyncadd.s32 $0xFFFFC000  }
0x29: {  	_ =	swait.ge [sflag:s19], $0x4000  }
0x2a: {  	[sflag:s19] =	ssyncset.done $0x0  }
0x2b: {  	[sflag:s19] =	ssyncadd.s32 $0xFFFFC000  }
0x2c: {  	[hbm4b:s4+s3] =	stream.linear.scatter [tilespmem:s15], [sflag:$0x3], $0xC000, $0x38;
	[tilespmem:$0x1C100] =	vst v63  }
0x2d: {  	s17 =	simm.s32 $0x180  }
0x2e: {  	[tilespmem:s21], [sflag:$0x2] =	stream.indirect.gather [spmem:s2], $0x80, s17, s14, $0xb8;
	[tilespmem:$0x1C100] =	vst v63  }
0x2f: {  	s17 =	simm.s32 $0x200  }
0x30: {  	[tilespmem:s23], [sflag:$0x2] =	stream.indirect.gather [spmem:s2], $0x80, s17, s14, $0xb8;
	[tilespmem:$0x1C100] =	vst v63  }
0x31: {  	s17 =	simm.s32 $0x280  }
0x32: {  	[tilespmem:s25], [sflag:$0x2] =	stream.indirect.gather [spmem:s2], $0x80, s17, s14, $0xb8;
	[tilespmem:$0x1C100] =	vst v63  }
0x33: {  	_ =	swait.ge [sflag:s26], $0x4000  }
0x34: {  	[sflag:s26] =	ssyncset.done $0x0  }
0x35: {  	[sflag:s26] =	ssyncadd.s32 $0xFFFFC000  }
0x36: {  	_ =	swait.ge [sflag:s26], $0x4000  }
0x37: {  	[sflag:s26] =	ssyncset.done $0x0  }
0x38: {  	[sflag:s26] =	ssyncadd.s32 $0xFFFFC000  }
0x39: {  	_ =	swait.ge [sflag:s26], $0x4000  }
0x3a: {  	[sflag:s26] =	ssyncset.done $0x0  }
0x3b: {  	[sflag:s26] =	ssyncadd.s32 $0xFFFFC000  }
0x3c: {  	[hbm4b:s6+s3] =	stream.linear.scatter [tilespmem:s21], [sflag:$0x4], $0xC000, $0x38;
	[tilespmem:$0x1C100] =	vst v63  }
0x3d: {  	_ =	swait.ge [sflag:s28], $0xC000  }
0x3e: {  	[sflag:s28] =	ssyncset.done $0x0  }
0x3f: {  	s17 =	simm.s32 $0x300;
	[sflag:s28] =	ssyncadd.s32 $0xFFFF4000  }
0x40: {  	[tilespmem:s15], [sflag:$0x1] =	stream.indirect.gather [spmem:s2], $0x80, s17, s14, $0xb8;
	[tilespmem:$0x1C100] =	vst v63  }
0x41: {  	s17 =	simm.s32 $0x380  }
0x42: {  	[tilespmem:s16], [sflag:$0x1] =	stream.indirect.gather [spmem:s2], $0x80, s17, s14, $0xb8;
	[tilespmem:$0x1C100] =	vst v63  }
0x43: {  	s17 =	simm.s32 $0x400  }
0x44: {  	[tilespmem:s18], [sflag:$0x1] =	stream.indirect.gather [spmem:s2], $0x80, s17, s14, $0xb8;
	[tilespmem:$0x1C100] =	vst v63  }
0x45: {  	_ =	swait.ge [sflag:s19], $0x4000  }
0x46: {  	[sflag:s19] =	ssyncset.done $0x0  }
0x47: {  	[sflag:s19] =	ssyncadd.s32 $0xFFFFC000  }
0x48: {  	_ =	swait.ge [sflag:s19], $0x4000  }
0x49: {  	[sflag:s19] =	ssyncset.done $0x0  }
0x4a: {  	[sflag:s19] =	ssyncadd.s32 $0xFFFFC000  }
0x4b: {  	_ =	swait.ge [sflag:s19], $0x4000  }
0x4c: {  	[sflag:s19] =	ssyncset.done $0x0  }
0x4d: {  	[sflag:s19] =	ssyncadd.s32 $0xFFFFC000  }
0x4e: {  	[hbm4b:s11+s3] =	stream.linear.scatter [tilespmem:s15], [sflag:$0x3], $0xC000, $0x38;
	[tilespmem:$0x1C100] =	vst v63  }
0x4f: {  	_ =	swait.ge [sflag:s0], $0xC000  }
0x50: {  	[sflag:s0] =	ssyncset.done $0x0  }
0x51: {  	s17 =	simm.s32 $0x480;
	[sflag:s0] =	ssyncadd.s32 $0xFFFF4000  }
0x52: {  	[tilespmem:s21], [sflag:$0x2] =	stream.indirect.gather [spmem:s2], $0x80, s17, s14, $0xb8;
	[tilespmem:$0x1C100] =	vst v63  }
0x53: {  	s17 =	simm.s32 $0x500  }
0x54: {  	[tilespmem:s23], [sflag:$0x2] =	stream.indirect.gather [spmem:s2], $0x80, s17, s14, $0xb8;
	[tilespmem:$0x1C100] =	vst v63  }
0x55: {  	s17 =	simm.s32 $0x580  }
0x56: {  	[tilespmem:s25], [sflag:$0x2] =	stream.indirect.gather [spmem:s2], $0x80, s17, s14, $0xb8;
	[tilespmem:$0x1C100] =	vst v63  }
0x57: {  	_ =	swait.ge [sflag:s26], $0x4000  }
0x58: {  	[sflag:s26] =	ssyncset.done $0x0  }
0x59: {  	[sflag:s26] =	ssyncadd.s32 $0xFFFFC000  }
0x5a: {  	_ =	swait.ge [sflag:s26], $0x4000  }
0x5b: {  	[sflag:s26] =	ssyncset.done $0x0  }
0x5c: {  	[sflag:s26] =	ssyncadd.s32 $0xFFFFC000  }
0x5d: {  	_ =	swait.ge [sflag:s26], $0x4000  }
0x5e: {  	[sflag:s26] =	ssyncset.done $0x0  }
0x5f: {  	s17 =	sadd.s32 $0x1800, s11;
	[sflag:s26] =	ssyncadd.s32 $0xFFFFC000  }
0x60: {  	[hbm4b:s17+s3] =	stream.linear.scatter [tilespmem:s21], [sflag:$0x4], $0xC000, $0x38;
	[tilespmem:$0x1C100] =	vst v63  }
0x61: {  	_ =	swait.ge [sflag:s28], $0xC000  }
0x62: {  	[sflag:s28] =	ssyncset.done $0x0  }
0x63: {  	s30 =	simm.s32 $0xC00;
	s17 =	simm.s32 $0x600;
	[sflag:s28] =	ssyncadd.s32 $0xFFFF4000  }
0x64: {  	[tilespmem:s15], [sflag:$0x1] =	stream.indirect.gather [spmem:s2], $0x80, s17, s14, $0xb8;
	[tilespmem:$0x1C100] =	vst v63  }
0x65: {  	s31 =	sadd.s32 $0x3000, s11;
	s1 =	simm.s32 $0x700;
	s17 =	simm.s32 $0x680  }
0x66: {  	[tilespmem:s16], [sflag:$0x1] =	stream.indirect.gather [spmem:s2], $0x80, s17, s14, $0xb8;
	[tilespmem:$0x1C100] =	vst v63  }
.LBB2_2:
0x67: {  	[tilespmem:s18], [sflag:$0x1] =	stream.indirect.gather [spmem:s2], $0x80, s1, s14, $0xb8;
	[tilespmem:$0x1C100] =	vst v63  }
0x68: {  	s1 =	smov.u32 s30  }
0x69: {  	p1 =	sne.s32 s30, $0xD800;
	s30 =	sadd.s32 $0xC00, s30;
	_ =	swait.ge [sflag:s19], $0x4000  }
0x6a: {  	[sflag:s19] =	ssyncset.done $0x0  }
0x6b: {  	[sflag:s19] =	ssyncadd.s32 $0xFFFFC000  }
0x6c: {  	_ =	swait.ge [sflag:s19], $0x4000  }
0x6d: {  	[sflag:s19] =	ssyncset.done $0x0  }
0x6e: {  	[sflag:s19] =	ssyncadd.s32 $0xFFFFC000  }
0x6f: {  	_ =	swait.ge [sflag:s19], $0x4000  }
0x70: {  	[sflag:s19] =	ssyncset.done $0x0  }
0x71: {  	[sflag:s19] =	ssyncadd.s32 $0xFFFFC000  }
0x72: {  	[hbm4b:s31+s3] =	stream.linear.scatter [tilespmem:s15], [sflag:$0x3], $0xC000, $0x38;
	[tilespmem:$0x1C100] =	vst v63  }
0x73: {  	_ =	swait.ge [sflag:s0], $0xC000  }
0x74: {  	s1 =	sshra.s32 s1, $0x2;
	[sflag:s0] =	ssyncset.done $0x0  }
0x75: {  	s17 =	sadd.s32 $0x480, s1;
	[sflag:s0] =	ssyncadd.s32 $0xFFFF4000  }
0x76: {  	[tilespmem:s21], [sflag:$0x2] =	stream.indirect.gather [spmem:s2], $0x80, s17, s14, $0xb8;
	[tilespmem:$0x1C100] =	vst v63  }
0x77: {  	s17 =	sadd.s32 $0x500, s1  }
0x78: {  	[tilespmem:s23], [sflag:$0x2] =	stream.indirect.gather [spmem:s2], $0x80, s17, s14, $0xb8;
	[tilespmem:$0x1C100] =	vst v63  }
0x79: {  	s17 =	sadd.s32 $0x580, s1  }
0x7a: {  	[tilespmem:s25], [sflag:$0x2] =	stream.indirect.gather [spmem:s2], $0x80, s17, s14, $0xb8;
	[tilespmem:$0x1C100] =	vst v63  }
0x7b: {  	_ =	swait.ge [sflag:s26], $0x4000  }
0x7c: {  	[sflag:s26] =	ssyncset.done $0x0  }
0x7d: {  	[sflag:s26] =	ssyncadd.s32 $0xFFFFC000  }
0x7e: {  	_ =	swait.ge [sflag:s26], $0x4000  }
0x7f: {  	[sflag:s26] =	ssyncset.done $0x0  }
0x80: {  	[sflag:s26] =	ssyncadd.s32 $0xFFFFC000  }
0x81: {  	_ =	swait.ge [sflag:s26], $0x4000  }
0x82: {  	[sflag:s26] =	ssyncset.done $0x0  }
0x83: {  	s17 =	sadd.s32 $0x1800, s31;
	[sflag:s26] =	ssyncadd.s32 $0xFFFFC000  }
0x84: {  	[hbm4b:s17+s3] =	stream.linear.scatter [tilespmem:s21], [sflag:$0x4], $0xC000, $0x38;
	[tilespmem:$0x1C100] =	vst v63  }
0x85: {  	_ =	swait.ge [sflag:s28], $0xC000  }
0x86: {  	[sflag:s28] =	ssyncset.done $0x0  }
.Ltmp0:
0x87: {  	s17 =	sadd.s32 $0x600, s1;
	[sflag:s28] =	ssyncadd.s32 $0xFFFF4000;
	(pc) =	sbr.rel @p1 .LBB2_2-.Ltmp0, $4  }
0x88: {  	[tilespmem:s15], [sflag:$0x1] =	stream.indirect.gather [spmem:s2], $0x80, s17, s14, $0xb8;
	[tilespmem:$0x1C100] =	vst v63  }
0x89: {  	s17 =	sadd.s32 $0x680, s1  }
0x8a: {  	[tilespmem:s16], [sflag:$0x1] =	stream.indirect.gather [spmem:s2], $0x80, s17, s14, $0xb8;
	[tilespmem:$0x1C100] =	vst v63  }
0x8b: {  	s31 =	sadd.s32 $0x3000, s31;
	s1 =	sadd.s32 $0x700, s1  }
0x8c: {  	[tilespmem:s18], [sflag:$0x1] =	stream.indirect.gather [spmem:s2], $0x80, s1, s14, $0xb8;
	[tilespmem:$0x1C100] =	vst v63  }
0x8d: {  	_ =	swait.ge [sflag:s19], $0x4000  }
0x8e: {  	[sflag:s19] =	ssyncset.done $0x0  }
0x8f: {  	[sflag:s19] =	ssyncadd.s32 $0xFFFFC000  }
0x90: {  	_ =	swait.ge [sflag:s19], $0x4000  }
0x91: {  	[sflag:s19] =	ssyncset.done $0x0  }
0x92: {  	[sflag:s19] =	ssyncadd.s32 $0xFFFFC000  }
0x93: {  	_ =	swait.ge [sflag:s19], $0x4000  }
0x94: {  	[sflag:s19] =	ssyncset.done $0x0  }
0x95: {  	[sflag:s19] =	ssyncadd.s32 $0xFFFFC000  }
0x96: {  	[hbm4b:s9+s3] =	stream.linear.scatter [tilespmem:s15], [sflag:$0x3], $0xC000, $0x38;
	[tilespmem:$0x1C100] =	vst v63  }
0x97: {  	_ =	swait.ge [sflag:s0], $0xC000  }
0x98: {  	[sflag:s0] =	ssyncset.done $0x0  }
0x99: {  	s30 =	simm.s32 $0x3D80;
	[sflag:s0] =	ssyncadd.s32 $0xFFFF4000  }
0x9a: {  	[tilespmem:s21], [sflag:$0x2] =	stream.indirect.gather [spmem:s2], $0x80, s30, s14, $0xb8;
	[tilespmem:$0x1C100] =	vst v63  }
0x9b: {  	s31 =	simm.s32 $0x3E00  }
0x9c: {  	[tilespmem:s23], [sflag:$0x2] =	stream.indirect.gather [spmem:s2], $0x80, s31, s14, $0xb8;
	[tilespmem:$0x1C100] =	vst v63  }
0x9d: {  	_ = 	snop  }
0x9e: {  	[tilespmem:s25], [sflag:$0x2] =	stream.indirect.gather [spmem:s2], $0x80, s20, s14, $0xb8;
	[tilespmem:$0x1C100] =	vst v63  }
0x9f: {  	_ =	swait.ge [sflag:s26], $0x4000  }
0xa0: {  	[sflag:s26] =	ssyncset.done $0x0  }
0xa1: {  	[sflag:s26] =	ssyncadd.s32 $0xFFFFC000  }
0xa2: {  	_ =	swait.ge [sflag:s26], $0x4000  }
0xa3: {  	[sflag:s26] =	ssyncset.done $0x0  }
0xa4: {  	[sflag:s26] =	ssyncadd.s32 $0xFFFFC000  }
0xa5: {  	_ =	swait.ge [sflag:s26], $0x4000  }
0xa6: {  	[sflag:s26] =	ssyncset.done $0x0  }
0xa7: {  	[sflag:s26] =	ssyncadd.s32 $0xFFFFC000  }
0xa8: {  	[hbm4b:s10+s3] =	stream.linear.scatter [tilespmem:s21], [sflag:$0x4], $0xC000, $0x38;
	[tilespmem:$0x1C100] =	vst v63  }
0xa9: {  	_ =	swait.ge [sflag:s28], $0xC000  }
0xaa: {  	[sflag:s28] =	ssyncset.done $0x0  }
0xab: {  	[sflag:s28] =	ssyncadd.s32 $0xFFFF4000  }
0xac: {  	[tilespmem:s15], [sflag:$0x1] =	stream.indirect.gather [spmem:s2], $0x80, s22, s14, $0xb8;
	[tilespmem:$0x1C100] =	vst v63  }
0xad: {  	_ = 	snop  }
0xae: {  	[tilespmem:s16], [sflag:$0x1] =	stream.indirect.gather [spmem:s2], $0x80, s24, s14, $0xb8;
	[tilespmem:$0x1C100] =	vst v63  }
0xaf: {  	_ = 	snop  }
0xb0: {  	[tilespmem:s18], [sflag:$0x1] =	stream.indirect.gather [spmem:s2], $0x80, s24, s14, $0xb8;
	[tilespmem:$0x1C100] =	vst v63  }
0xb1: {  	_ =	swait.ge [sflag:s19], $0x4000  }
0xb2: {  	[sflag:s19] =	ssyncset.done $0x0  }
0xb3: {  	[sflag:s19] =	ssyncadd.s32 $0xFFFFC000  }
0xb4: {  	_ =	swait.ge [sflag:s19], $0x4000  }
0xb5: {  	[sflag:s19] =	ssyncset.done $0x0  }
0xb6: {  	[sflag:s19] =	ssyncadd.s32 $0xFFFFC000  }
0xb7: {  	_ =	swait.ge [sflag:s19], $0x4000  }
0xb8: {  	[sflag:s19] =	ssyncset.done $0x0  }
0xb9: {  	s29 =	sadd.s32 $0x1, s29;
	[sflag:s19] =	ssyncadd.s32 $0xFFFFC000  }
0xba: {  	[hbm4b:s7+s3] =	stream.linear.scatter [tilespmem:s15], [sflag:$0x3], $0x8000, $0x38;
	[tilespmem:$0x1C100] =	vst v63  }
0xbb: {  	p1 =	sne.s32 s29, s8;
	_ =	swait.ge [sflag:s0], $0xC000  }
.Ltmp1:
0xbc: {  	[sflag:s0] =	ssyncset.done $0x0;
	(pc) =	sbr.rel @p1 .LBB2_1-.Ltmp1, $4  }
0xbd: {  	[sflag:s0] =	ssyncadd.s32 $0xFFFF4000  }
0xbe: {  	_ =	swait.ge [sflag:s28], $0x8000  }
0xbf: {  	[sflag:s28] =	ssyncset.done $0x0  }
0xc0: {  	[sflag:s28] =	ssyncadd.s32 $0xFFFF8000  }
0xc1: {  	_ =	sfence.sel $0x180000  }
0xc2: {  	[bflag:$0x0] =	sbarrier.arrive $0xFFFF  }
0xc3: {  	_ =	strace $0x90000047  }
0xc4: {  	[bflag:$0x2] =	sbarrier.arrive $0xFFFF  }
0xc5: {  	s0 =	rddreg [dreg:$0x4]  }
0xc6: {  	s0 =	sadd.s32 @!p0 $0x100000, s0  }
0xc7: {  	[sflag:s0] =	ssyncadd.tile.s32 @!p0 $0x1;
	_ =	shalt  }
.Lfunc_end2:
_tile_overlayer_lowered:
.L_overlay_start_2:
0xc8: {  	(tag) =	ssettag $0x2  }
0xc9: {  	s0 =	rddreg [dreg:$0x0];
	s2 =	stileid.u32  }
0xca: {  	s1 =	rddreg [dreg:$0x1];
	p0 =	sne.s32 s2, $0x0  }
0xcb: {  	s3 =	rddreg [dreg:$0x2];
	[bflag:$0x3] =	sbarrier.arrive $0xFFFF;
	s2 =	simm.s32 @!p0 $0x1C05  }
0xcc: {  	[timem:s3], [sflag:s2] =	dma.local @!p0 [hbm:s0], s1  }
0xcd: {  	s0 =	simm.s32 @!p0 $0x5  }
0xce: {  	_ =	swait.ge @!p0 [sflag:s0], s1  }
0xcf: {  	s1 =	ssub.s32 @!p0 $0x0, s1;
	[sflag:s0] =	ssyncset.done @!p0 $0x0  }
0xd0: {  	[sflag:s0] =	ssyncadd.s32 @!p0 s1  }
0xd1: {  	[bflag:$0x3] =	sbarrier.arrive $0xFFFF  }
0xd2: {  	_ =	shalt  }

</sc_bundles>
